<compile_context>
chip_gen: v7x
topology: tpu7x:2x2x1
jax: 0.10.2.dev20260603
libtpu: 0.0.44.dev20260713+nightly
codegen_flags: <defaults>
</compile_context>

<pallas_src>
import functools

import jax
import jax.numpy as jnp
from jax import lax
from jax.experimental import pallas as pl
from jax.experimental.pallas import tpu as pltpu
from jax.experimental.pallas import tpu_sc as plsc

_DIM = 32
_NC = 2
_NS = 16
_NW = _NC * _NS


@functools.partial(jax.jit, static_argnames=("chunk", "nbuf"))
def _sc_gather(table, idx, chunk=832, nbuf=3):
    b = idx.shape[0]
    assert b % (_NW * chunk) == 0 and chunk % 8 == 0
    b_per_w = b // _NW
    nch = b_per_w // chunk
    idx2d = idx.reshape(_NW * nch, chunk)

    mesh = plsc.VectorSubcoreMesh(
        core_axis_name="c", subcore_axis_name="s",
        num_cores=_NC, num_subcores=_NS,
    )

    @functools.partial(
        pl.kernel,
        out_type=jax.ShapeDtypeStruct((b, _DIM), jnp.float32),
        mesh=mesh,
        scratch_types=[
            pltpu.VMEM((nch, chunk), jnp.int32),
            [pltpu.VMEM((chunk, _DIM), jnp.float32) for _ in range(nbuf)],
            [pltpu.SemaphoreType.DMA for _ in range(nbuf)],
            [pltpu.SemaphoreType.DMA for _ in range(nbuf)],
        ],
        compiler_params=pltpu.CompilerParams(use_tc_tiling_on_sc=False),
    )
    def body(idx_hbm, table_hbm, out_hbm, idx_v, rows, gsems, osems):
        wid = lax.axis_index("s") * _NC + lax.axis_index("c")
        base = wid * b_per_w
        pltpu.sync_copy(idx_hbm.at[pl.ds(wid * nch, nch)], idx_v)

        gathers = [None] * nch
        stores = [None] * nch

        def start_gather(j):
            bf = j % nbuf
            return pltpu.async_copy(
                table_hbm.at[idx_v.at[j]], rows[bf], gsems[bf]
            )

        gathers[0] = start_gather(0)
        for j in range(nch):
            if j + 1 < nch:
                if j + 1 >= nbuf:
                    stores[j + 1 - nbuf].wait()
                gathers[j + 1] = start_gather(j + 1)
            gathers[j].wait()
            bf = j % nbuf
            stores[j] = pltpu.async_copy(
                rows[bf], out_hbm.at[pl.ds(base + j * chunk, chunk)], osems[bf]
            )
        for j in range(max(0, nch - nbuf), nch):
            stores[j].wait()

    return body(idx2d, table)


def kernel(indices, weight, exp_avgs, exp_avg_sqs, step):
    w128 = jax.lax.optimization_barrier(
        weight.reshape(weight.size // 128, 128)
    )
    w_lin = w128.reshape(weight.shape)
    flat = indices.reshape(-1)
    out = _sc_gather(w_lin, flat)
    out128 = jax.lax.optimization_barrier(out.reshape(out.size // 128, 128))
    return out128.reshape(indices.shape + (_DIM,))

# --- scband reference (transcript-rebuilt; emitter-appended) ---
"""Pipeline reference for scband-sparse-embedding-30279519437287 (READ-ONLY COPY).

The authoritative reference and input builder live on the scoring server;
editing this copy changes nothing except your own understanding.
"""

import jax, jax.numpy as jnp
import numpy as np

NUM_EMB = 1000000
DIM = 32
BETA1 = 0.9
BETA2 = 0.999
EPS = 1e-08
LR = 0.0
GLOBAL_STEP = 1  # value after the increment inside forward


def setup_inputs(seed: int = 0) -> dict:
    key = jax.random.key(seed)
    k1, k2 = jax.random.split(key)
    indices = jax.random.randint(k1, (16384, 26), 0, NUM_EMB, dtype=jnp.int32)
    weight = jax.random.normal(k2, (NUM_EMB, DIM), dtype=jnp.float32) * 0.01
    exp_avgs = jnp.zeros((NUM_EMB, DIM), dtype=jnp.float32)
    exp_avg_sqs = jnp.zeros((NUM_EMB, DIM), dtype=jnp.float32)
    step = jnp.zeros((NUM_EMB, 1), dtype=jnp.float32)
    return {
        "indices": indices,
        "weight": weight,
        "exp_avgs": exp_avgs,
        "exp_avg_sqs": exp_avg_sqs,
        "step": step,
    }


def reference(indices, weight, exp_avgs, exp_avg_sqs, step):
    # Faithful translation of SparseEmbedding.forward (one call, global_step 0 -> 1).
    out_shape = indices.shape + (DIM,)
    flat = indices.reshape(-1)
    sorted_flat = jnp.sort(flat)
    is_first = jnp.concatenate(
        [jnp.ones((1,), dtype=bool), sorted_flat[1:] != sorted_flat[:-1]]
    )
    mask = is_first[:, None]
    t = BETA1 / np.sqrt(BETA2)
    sp = GLOBAL_STEP - step[sorted_flat]     # [N, 1]
    step = step.at[sorted_flat].set(float(GLOBAL_STEP))
    upd = LR * ((t ** sp - 1.0) / (t - 1.0)) * (
        exp_avgs[sorted_flat] / (jnp.sqrt(exp_avg_sqs[sorted_flat]) + EPS)
    )
    upd = jnp.where(mask, upd, 0.0)
    weight = weight.at[sorted_flat].add(-upd)
    exp_avgs = exp_avgs.at[sorted_flat].multiply(
        jnp.where(mask, BETA1 ** sp, 1.0)
    )
    exp_avg_sqs = exp_avg_sqs.at[sorted_flat].multiply(
        jnp.where(mask, BETA2 ** sp, 1.0)
    )
    out = jnp.take(weight, flat, axis=0).astype(jnp.float32)
    return out.reshape(out_shape)

if __name__ == "__main__":
    import jax
    _d = setup_inputs()
    print(jax.jit(kernel)(*tuple(_d.values())))

</pallas_src>

<mosaic_0001>
#map = affine_map<(d0, d1) -> (0, 0)>
module attributes {stable_mosaic.version = 14 : i64} {
  func.func @body(%arg0: i32, %arg1: i32, %arg2: memref<512x832xi32, #tpu.memory_space<hbm>>, %arg3: memref<1000000x32xf32, #tpu.memory_space<hbm>>, %arg4: memref<425984x32xf32, #tpu.memory_space<hbm>>, %arg5: memref<16x832xi32, #tpu.memory_space<vmem>>, %arg6: memref<832x32xf32, #tpu.memory_space<vmem>>, %arg7: memref<832x32xf32, #tpu.memory_space<vmem>>, %arg8: memref<832x32xf32, #tpu.memory_space<vmem>>, %arg9: memref<!tpu.dma_semaphore, #tpu.memory_space<semaphore_mem>>, %arg10: memref<!tpu.dma_semaphore, #tpu.memory_space<semaphore_mem>>, %arg11: memref<!tpu.dma_semaphore, #tpu.memory_space<semaphore_mem>>, %arg12: memref<!tpu.dma_semaphore, #tpu.memory_space<semaphore_mem>>, %arg13: memref<!tpu.dma_semaphore, #tpu.memory_space<semaphore_mem>>, %arg14: memref<!tpu.dma_semaphore, #tpu.memory_space<semaphore_mem>>) attributes {dimension_semantics = [#tpu.dimension_semantics<core_parallel>, #tpu.dimension_semantics<subcore_parallel>], iteration_bounds = array<i64: 2, 16>, scalar_prefetch = 0 : i64, scratch_operands = 10 : i64, tpu.core_type = #tpu.core_type<sc_vector_subcore>, window_params = [{transform_indices = #map}, {transform_indices = #map}, {transform_indices = #map}]} {
    %mul3A = arith.constant 2 : i32
    %mul3A_0 = arith.muli %arg1, %mul3A : i32
    %add3A = arith.addi %mul3A_0, %arg0 : i32
    %mul3A_1 = arith.constant 13312 : i32
    %mul3A_2 = arith.muli %add3A, %mul3A_1 : i32
    %mul3A_3 = arith.constant 16 : i32
    %mul3A_4 = arith.muli %add3A, %mul3A_3 : i32
    "tpu.region"() ({
      %run_scoped3A = tpu.sem_alloc : memref<!tpu.dma_semaphore, #tpu.memory_space<semaphore_mem>>
      %dma_start3A_387 = arith.constant 0 : i32
      %dma_start3A_388 = tpu.memref_slice %arg2[%mul3A_4, %dma_start3A_387] : memref<512x832xi32, #tpu.memory_space<hbm>> -> memref<16x832xi32, #tpu.memory_space<hbm>>
      %dma_start3A_389 = arith.constant 0 : i32
      %dma_start3A_390 = tpu.memref_slice %arg2[%mul3A_4, %dma_start3A_389] : memref<512x832xi32, #tpu.memory_space<hbm>> -> memref<16x832xi32, #tpu.memory_space<hbm>>
      tpu.enqueue_dma source(%dma_start3A_390 : memref<16x832xi32, #tpu.memory_space<hbm>>) target(%arg5 : memref<16x832xi32, #tpu.memory_space<vmem>>) target_semaphore(%run_scoped3A : memref<!tpu.dma_semaphore, #tpu.memory_space<semaphore_mem>>)
      %dma_wait3A_391 = arith.constant 0 : i32
      %dma_wait3A_392 = tpu.memref_slice %arg2[%mul3A_4, %dma_wait3A_391] : memref<512x832xi32, #tpu.memory_space<hbm>> -> memref<16x832xi32, #tpu.memory_space<hbm>>
      %dma_wait3A_393 = arith.constant 0 : i32
      %dma_wait3A_394 = tpu.memref_slice %arg2[%mul3A_4, %dma_wait3A_393] : memref<512x832xi32, #tpu.memory_space<hbm>> -> memref<16x832xi32, #tpu.memory_space<hbm>>
      tpu.wait_dma2 semaphore(%run_scoped3A : memref<!tpu.dma_semaphore, #tpu.memory_space<semaphore_mem>>) src(%dma_wait3A_394 : memref<16x832xi32, #tpu.memory_space<hbm>>) dst(%arg5 : memref<16x832xi32, #tpu.memory_space<vmem>>)
      tpu.yield
    }) : () -> ()
    %dma_start3A = arith.constant 0 : i32
    %dma_start3A_5 = arith.constant 0 : i32
    %dma_start3A_6 = tpu.memref_slice %arg5[%dma_start3A, %dma_start3A_5] : memref<16x832xi32, #tpu.memory_space<vmem>> -> memref<1x832xi32, #tpu.memory_space<vmem>>
    %dma_start3A_7 = tpu.memref_squeeze %dma_start3A_6 : memref<1x832xi32, #tpu.memory_space<vmem>> -> memref<832xi32, #tpu.memory_space<vmem>>
    %dma_start3A_8 = arith.constant 0 : i32
    %dma_start3A_9 = arith.constant 0 : i32
    %dma_start3A_10 = tpu.memref_slice %arg3[%dma_start3A_8, %dma_start3A_9] : memref<1000000x32xf32, #tpu.memory_space<hbm>> -> memref<1000000x32xf32, #tpu.memory_space<hbm>>
    tpu.enqueue_indirect_dma source(%dma_start3A_10 : memref<1000000x32xf32, #tpu.memory_space<hbm>>) target(%arg6 : memref<832x32xf32, #tpu.memory_space<vmem>>) offsets(%dma_start3A_7 : memref<832xi32, #tpu.memory_space<vmem>>) semaphore(%arg9 : memref<!tpu.dma_semaphore, #tpu.memory_space<semaphore_mem>>)
    %dma_start3A_11 = arith.constant 1 : i32
    %dma_start3A_12 = arith.constant 0 : i32
    %dma_start3A_13 = tpu.memref_slice %arg5[%dma_start3A_11, %dma_start3A_12] : memref<16x832xi32, #tpu.memory_space<vmem>> -> memref<1x832xi32, #tpu.memory_space<vmem>>
    %dma_start3A_14 = tpu.memref_squeeze %dma_start3A_13 : memref<1x832xi32, #tpu.memory_space<vmem>> -> memref<832xi32, #tpu.memory_space<vmem>>
    %dma_start3A_15 = arith.constant 0 : i32
    %dma_start3A_16 = arith.constant 0 : i32
    %dma_start3A_17 = tpu.memref_slice %arg3[%dma_start3A_15, %dma_start3A_16] : memref<1000000x32xf32, #tpu.memory_space<hbm>> -> memref<1000000x32xf32, #tpu.memory_space<hbm>>
    tpu.enqueue_indirect_dma source(%dma_start3A_17 : memref<1000000x32xf32, #tpu.memory_space<hbm>>) target(%arg7 : memref<832x32xf32, #tpu.memory_space<vmem>>) offsets(%dma_start3A_14 : memref<832xi32, #tpu.memory_space<vmem>>) semaphore(%arg10 : memref<!tpu.dma_semaphore, #tpu.memory_space<semaphore_mem>>)
    %dma_wait3A = arith.constant 0 : i32
    %dma_wait3A_18 = arith.constant 0 : i32
    %dma_wait3A_19 = tpu.memref_slice %arg5[%dma_wait3A, %dma_wait3A_18] : memref<16x832xi32, #tpu.memory_space<vmem>> -> memref<1x832xi32, #tpu.memory_space<vmem>>
    %dma_wait3A_20 = tpu.memref_squeeze %dma_wait3A_19 : memref<1x832xi32, #tpu.memory_space<vmem>> -> memref<832xi32, #tpu.memory_space<vmem>>
    %dma_wait3A_21 = arith.constant 0 : i32
    %dma_wait3A_22 = arith.constant 0 : i32
    %dma_wait3A_23 = tpu.memref_slice %arg3[%dma_wait3A_21, %dma_wait3A_22] : memref<1000000x32xf32, #tpu.memory_space<hbm>> -> memref<1000000x32xf32, #tpu.memory_space<hbm>>
    tpu.wait_indirect_dma semaphore(%arg9 : memref<!tpu.dma_semaphore, #tpu.memory_space<semaphore_mem>>) src(%dma_wait3A_23 : memref<1000000x32xf32, #tpu.memory_space<hbm>>) dst(%arg6 : memref<832x32xf32, #tpu.memory_space<vmem>>)
    %add3A_24 = arith.constant 0 : i32
    %add3A_25 = arith.addi %mul3A_2, %add3A_24 : i32
    %dma_start3A_26 = arith.constant 0 : i32
    %dma_start3A_27 = tpu.memref_slice %arg4[%add3A_25, %dma_start3A_26] : memref<425984x32xf32, #tpu.memory_space<hbm>> -> memref<832x32xf32, #tpu.memory_space<hbm>>
    %dma_start3A_28 = arith.constant 0 : i32
    %dma_start3A_29 = tpu.memref_slice %arg4[%add3A_25, %dma_start3A_28] : memref<425984x32xf32, #tpu.memory_space<hbm>> -> memref<832x32xf32, #tpu.memory_space<hbm>>
    tpu.enqueue_dma source(%arg6 : memref<832x32xf32, #tpu.memory_space<vmem>>) target(%dma_start3A_29 : memref<832x32xf32, #tpu.memory_space<hbm>>) target_semaphore(%arg12 : memref<!tpu.dma_semaphore, #tpu.memory_space<semaphore_mem>>)
    %dma_start3A_30 = arith.constant 2 : i32
    %dma_start3A_31 = arith.constant 0 : i32
    %dma_start3A_32 = tpu.memref_slice %arg5[%dma_start3A_30, %dma_start3A_31] : memref<16x832xi32, #tpu.memory_space<vmem>> -> memref<1x832xi32, #tpu.memory_space<vmem>>
    %dma_start3A_33 = tpu.memref_squeeze %dma_start3A_32 : memref<1x832xi32, #tpu.memory_space<vmem>> -> memref<832xi32, #tpu.memory_space<vmem>>
    %dma_start3A_34 = arith.constant 0 : i32
    %dma_start3A_35 = arith.constant 0 : i32
    %dma_start3A_36 = tpu.memref_slice %arg3[%dma_start3A_34, %dma_start3A_35] : memref<1000000x32xf32, #tpu.memory_space<hbm>> -> memref<1000000x32xf32, #tpu.memory_space<hbm>>
    tpu.enqueue_indirect_dma source(%dma_start3A_36 : memref<1000000x32xf32, #tpu.memory_space<hbm>>) target(%arg8 : memref<832x32xf32, #tpu.memory_space<vmem>>) offsets(%dma_start3A_33 : memref<832xi32, #tpu.memory_space<vmem>>) semaphore(%arg11 : memref<!tpu.dma_semaphore, #tpu.memory_space<semaphore_mem>>)
    %dma_wait3A_37 = arith.constant 1 : i32
    %dma_wait3A_38 = arith.constant 0 : i32
    %dma_wait3A_39 = tpu.memref_slice %arg5[%dma_wait3A_37, %dma_wait3A_38] : memref<16x832xi32, #tpu.memory_space<vmem>> -> memref<1x832xi32, #tpu.memory_space<vmem>>
    %dma_wait3A_40 = tpu.memref_squeeze %dma_wait3A_39 : memref<1x832xi32, #tpu.memory_space<vmem>> -> memref<832xi32, #tpu.memory_space<vmem>>
    %dma_wait3A_41 = arith.constant 0 : i32
    %dma_wait3A_42 = arith.constant 0 : i32
    %dma_wait3A_43 = tpu.memref_slice %arg3[%dma_wait3A_41, %dma_wait3A_42] : memref<1000000x32xf32, #tpu.memory_space<hbm>> -> memref<1000000x32xf32, #tpu.memory_space<hbm>>
    tpu.wait_indirect_dma semaphore(%arg10 : memref<!tpu.dma_semaphore, #tpu.memory_space<semaphore_mem>>) src(%dma_wait3A_43 : memref<1000000x32xf32, #tpu.memory_space<hbm>>) dst(%arg7 : memref<832x32xf32, #tpu.memory_space<vmem>>)
    %add3A_44 = arith.constant 832 : i32
    %add3A_45 = arith.addi %mul3A_2, %add3A_44 : i32
    %dma_start3A_46 = arith.constant 0 : i32
    %dma_start3A_47 = tpu.memref_slice %arg4[%add3A_45, %dma_start3A_46] : memref<425984x32xf32, #tpu.memory_space<hbm>> -> memref<832x32xf32, #tpu.memory_space<hbm>>
    %dma_start3A_48 = arith.constant 0 : i32
    %dma_start3A_49 = tpu.memref_slice %arg4[%add3A_45, %dma_start3A_48] : memref<425984x32xf32, #tpu.memory_space<hbm>> -> memref<832x32xf32, #tpu.memory_space<hbm>>
    tpu.enqueue_dma source(%arg7 : memref<832x32xf32, #tpu.memory_space<vmem>>) target(%dma_start3A_49 : memref<832x32xf32, #tpu.memory_space<hbm>>) target_semaphore(%arg13 : memref<!tpu.dma_semaphore, #tpu.memory_space<semaphore_mem>>)
    %dma_wait3A_50 = arith.constant 0 : i32
    %dma_wait3A_51 = tpu.memref_slice %arg4[%add3A_25, %dma_wait3A_50] : memref<425984x32xf32, #tpu.memory_space<hbm>> -> memref<832x32xf32, #tpu.memory_space<hbm>>
    %dma_wait3A_52 = arith.constant 0 : i32
    %dma_wait3A_53 = tpu.memref_slice %arg4[%add3A_25, %dma_wait3A_52] : memref<425984x32xf32, #tpu.memory_space<hbm>> -> memref<832x32xf32, #tpu.memory_space<hbm>>
    tpu.wait_dma2 semaphore(%arg12 : memref<!tpu.dma_semaphore, #tpu.memory_space<semaphore_mem>>) src(%arg6 : memref<832x32xf32, #tpu.memory_space<vmem>>) dst(%dma_wait3A_53 : memref<832x32xf32, #tpu.memory_space<hbm>>)
    %dma_start3A_54 = arith.constant 3 : i32
    %dma_start3A_55 = arith.constant 0 : i32
    %dma_start3A_56 = tpu.memref_slice %arg5[%dma_start3A_54, %dma_start3A_55] : memref<16x832xi32, #tpu.memory_space<vmem>> -> memref<1x832xi32, #tpu.memory_space<vmem>>
    %dma_start3A_57 = tpu.memref_squeeze %dma_start3A_56 : memref<1x832xi32, #tpu.memory_space<vmem>> -> memref<832xi32, #tpu.memory_space<vmem>>
    %dma_start3A_58 = arith.constant 0 : i32
    %dma_start3A_59 = arith.constant 0 : i32
    %dma_start3A_60 = tpu.memref_slice %arg3[%dma_start3A_58, %dma_start3A_59] : memref<1000000x32xf32, #tpu.memory_space<hbm>> -> memref<1000000x32xf32, #tpu.memory_space<hbm>>
    tpu.enqueue_indirect_dma source(%dma_start3A_60 : memref<1000000x32xf32, #tpu.memory_space<hbm>>) target(%arg6 : memref<832x32xf32, #tpu.memory_space<vmem>>) offsets(%dma_start3A_57 : memref<832xi32, #tpu.memory_space<vmem>>) semaphore(%arg9 : memref<!tpu.dma_semaphore, #tpu.memory_space<semaphore_mem>>)
    %dma_wait3A_61 = arith.constant 2 : i32
    %dma_wait3A_62 = arith.constant 0 : i32
    %dma_wait3A_63 = tpu.memref_slice %arg5[%dma_wait3A_61, %dma_wait3A_62] : memref<16x832xi32, #tpu.memory_space<vmem>> -> memref<1x832xi32, #tpu.memory_space<vmem>>
    %dma_wait3A_64 = tpu.memref_squeeze %dma_wait3A_63 : memref<1x832xi32, #tpu.memory_space<vmem>> -> memref<832xi32, #tpu.memory_space<vmem>>
    %dma_wait3A_65 = arith.constant 0 : i32
    %dma_wait3A_66 = arith.constant 0 : i32
    %dma_wait3A_67 = tpu.memref_slice %arg3[%dma_wait3A_65, %dma_wait3A_66] : memref<1000000x32xf32, #tpu.memory_space<hbm>> -> memref<1000000x32xf32, #tpu.memory_space<hbm>>
    tpu.wait_indirect_dma semaphore(%arg11 : memref<!tpu.dma_semaphore, #tpu.memory_space<semaphore_mem>>) src(%dma_wait3A_67 : memref<1000000x32xf32, #tpu.memory_space<hbm>>) dst(%arg8 : memref<832x32xf32, #tpu.memory_space<vmem>>)
    %add3A_68 = arith.constant 1664 : i32
    %add3A_69 = arith.addi %mul3A_2, %add3A_68 : i32
    %dma_start3A_70 = arith.constant 0 : i32
    %dma_start3A_71 = tpu.memref_slice %arg4[%add3A_69, %dma_start3A_70] : memref<425984x32xf32, #tpu.memory_space<hbm>> -> memref<832x32xf32, #tpu.memory_space<hbm>>
    %dma_start3A_72 = arith.constant 0 : i32
    %dma_start3A_73 = tpu.memref_slice %arg4[%add3A_69, %dma_start3A_72] : memref<425984x32xf32, #tpu.memory_space<hbm>> -> memref<832x32xf32, #tpu.memory_space<hbm>>
    tpu.enqueue_dma source(%arg8 : memref<832x32xf32, #tpu.memory_space<vmem>>) target(%dma_start3A_73 : memref<832x32xf32, #tpu.memory_space<hbm>>) target_semaphore(%arg14 : memref<!tpu.dma_semaphore, #tpu.memory_space<semaphore_mem>>)
    %dma_wait3A_74 = arith.constant 0 : i32
    %dma_wait3A_75 = tpu.memref_slice %arg4[%add3A_45, %dma_wait3A_74] : memref<425984x32xf32, #tpu.memory_space<hbm>> -> memref<832x32xf32, #tpu.memory_space<hbm>>
    %dma_wait3A_76 = arith.constant 0 : i32
    %dma_wait3A_77 = tpu.memref_slice %arg4[%add3A_45, %dma_wait3A_76] : memref<425984x32xf32, #tpu.memory_space<hbm>> -> memref<832x32xf32, #tpu.memory_space<hbm>>
    tpu.wait_dma2 semaphore(%arg13 : memref<!tpu.dma_semaphore, #tpu.memory_space<semaphore_mem>>) src(%arg7 : memref<832x32xf32, #tpu.memory_space<vmem>>) dst(%dma_wait3A_77 : memref<832x32xf32, #tpu.memory_space<hbm>>)
    %dma_start3A_78 = arith.constant 4 : i32
    %dma_start3A_79 = arith.constant 0 : i32
    %dma_start3A_80 = tpu.memref_slice %arg5[%dma_start3A_78, %dma_start3A_79] : memref<16x832xi32, #tpu.memory_space<vmem>> -> memref<1x832xi32, #tpu.memory_space<vmem>>
    %dma_start3A_81 = tpu.memref_squeeze %dma_start3A_80 : memref<1x832xi32, #tpu.memory_space<vmem>> -> memref<832xi32, #tpu.memory_space<vmem>>
    %dma_start3A_82 = arith.constant 0 : i32
    %dma_start3A_83 = arith.constant 0 : i32
    %dma_start3A_84 = tpu.memref_slice %arg3[%dma_start3A_82, %dma_start3A_83] : memref<1000000x32xf32, #tpu.memory_space<hbm>> -> memref<1000000x32xf32, #tpu.memory_space<hbm>>
    tpu.enqueue_indirect_dma source(%dma_start3A_84 : memref<1000000x32xf32, #tpu.memory_space<hbm>>) target(%arg7 : memref<832x32xf32, #tpu.memory_space<vmem>>) offsets(%dma_start3A_81 : memref<832xi32, #tpu.memory_space<vmem>>) semaphore(%arg10 : memref<!tpu.dma_semaphore, #tpu.memory_space<semaphore_mem>>)
    %dma_wait3A_85 = arith.constant 3 : i32
    %dma_wait3A_86 = arith.constant 0 : i32
    %dma_wait3A_87 = tpu.memref_slice %arg5[%dma_wait3A_85, %dma_wait3A_86] : memref<16x832xi32, #tpu.memory_space<vmem>> -> memref<1x832xi32, #tpu.memory_space<vmem>>
    %dma_wait3A_88 = tpu.memref_squeeze %dma_wait3A_87 : memref<1x832xi32, #tpu.memory_space<vmem>> -> memref<832xi32, #tpu.memory_space<vmem>>
    %dma_wait3A_89 = arith.constant 0 : i32
    %dma_wait3A_90 = arith.constant 0 : i32
    %dma_wait3A_91 = tpu.memref_slice %arg3[%dma_wait3A_89, %dma_wait3A_90] : memref<1000000x32xf32, #tpu.memory_space<hbm>> -> memref<1000000x32xf32, #tpu.memory_space<hbm>>
    tpu.wait_indirect_dma semaphore(%arg9 : memref<!tpu.dma_semaphore, #tpu.memory_space<semaphore_mem>>) src(%dma_wait3A_91 : memref<1000000x32xf32, #tpu.memory_space<hbm>>) dst(%arg6 : memref<832x32xf32, #tpu.memory_space<vmem>>)
    %add3A_92 = arith.constant 2496 : i32
    %add3A_93 = arith.addi %mul3A_2, %add3A_92 : i32
    %dma_start3A_94 = arith.constant 0 : i32
    %dma_start3A_95 = tpu.memref_slice %arg4[%add3A_93, %dma_start3A_94] : memref<425984x32xf32, #tpu.memory_space<hbm>> -> memref<832x32xf32, #tpu.memory_space<hbm>>
    %dma_start3A_96 = arith.constant 0 : i32
    %dma_start3A_97 = tpu.memref_slice %arg4[%add3A_93, %dma_start3A_96] : memref<425984x32xf32, #tpu.memory_space<hbm>> -> memref<832x32xf32, #tpu.memory_space<hbm>>
    tpu.enqueue_dma source(%arg6 : memref<832x32xf32, #tpu.memory_space<vmem>>) target(%dma_start3A_97 : memref<832x32xf32, #tpu.memory_space<hbm>>) target_semaphore(%arg12 : memref<!tpu.dma_semaphore, #tpu.memory_space<semaphore_mem>>)
    %dma_wait3A_98 = arith.constant 0 : i32
    %dma_wait3A_99 = tpu.memref_slice %arg4[%add3A_69, %dma_wait3A_98] : memref<425984x32xf32, #tpu.memory_space<hbm>> -> memref<832x32xf32, #tpu.memory_space<hbm>>
    %dma_wait3A_100 = arith.constant 0 : i32
    %dma_wait3A_101 = tpu.memref_slice %arg4[%add3A_69, %dma_wait3A_100] : memref<425984x32xf32, #tpu.memory_space<hbm>> -> memref<832x32xf32, #tpu.memory_space<hbm>>
    tpu.wait_dma2 semaphore(%arg14 : memref<!tpu.dma_semaphore, #tpu.memory_space<semaphore_mem>>) src(%arg8 : memref<832x32xf32, #tpu.memory_space<vmem>>) dst(%dma_wait3A_101 : memref<832x32xf32, #tpu.memory_space<hbm>>)
    %dma_start3A_102 = arith.constant 5 : i32
    %dma_start3A_103 = arith.constant 0 : i32
    %dma_start3A_104 = tpu.memref_slice %arg5[%dma_start3A_102, %dma_start3A_103] : memref<16x832xi32, #tpu.memory_space<vmem>> -> memref<1x832xi32, #tpu.memory_space<vmem>>
    %dma_start3A_105 = tpu.memref_squeeze %dma_start3A_104 : memref<1x832xi32, #tpu.memory_space<vmem>> -> memref<832xi32, #tpu.memory_space<vmem>>
    %dma_start3A_106 = arith.constant 0 : i32
    %dma_start3A_107 = arith.constant 0 : i32
    %dma_start3A_108 = tpu.memref_slice %arg3[%dma_start3A_106, %dma_start3A_107] : memref<1000000x32xf32, #tpu.memory_space<hbm>> -> memref<1000000x32xf32, #tpu.memory_space<hbm>>
    tpu.enqueue_indirect_dma source(%dma_start3A_108 : memref<1000000x32xf32, #tpu.memory_space<hbm>>) target(%arg8 : memref<832x32xf32, #tpu.memory_space<vmem>>) offsets(%dma_start3A_105 : memref<832xi32, #tpu.memory_space<vmem>>) semaphore(%arg11 : memref<!tpu.dma_semaphore, #tpu.memory_space<semaphore_mem>>)
    %dma_wait3A_109 = arith.constant 4 : i32
    %dma_wait3A_110 = arith.constant 0 : i32
    %dma_wait3A_111 = tpu.memref_slice %arg5[%dma_wait3A_109, %dma_wait3A_110] : memref<16x832xi32, #tpu.memory_space<vmem>> -> memref<1x832xi32, #tpu.memory_space<vmem>>
    %dma_wait3A_112 = tpu.memref_squeeze %dma_wait3A_111 : memref<1x832xi32, #tpu.memory_space<vmem>> -> memref<832xi32, #tpu.memory_space<vmem>>
    %dma_wait3A_113 = arith.constant 0 : i32
    %dma_wait3A_114 = arith.constant 0 : i32
    %dma_wait3A_115 = tpu.memref_slice %arg3[%dma_wait3A_113, %dma_wait3A_114] : memref<1000000x32xf32, #tpu.memory_space<hbm>> -> memref<1000000x32xf32, #tpu.memory_space<hbm>>
    tpu.wait_indirect_dma semaphore(%arg10 : memref<!tpu.dma_semaphore, #tpu.memory_space<semaphore_mem>>) src(%dma_wait3A_115 : memref<1000000x32xf32, #tpu.memory_space<hbm>>) dst(%arg7 : memref<832x32xf32, #tpu.memory_space<vmem>>)
    %add3A_116 = arith.constant 3328 : i32
    %add3A_117 = arith.addi %mul3A_2, %add3A_116 : i32
    %dma_start3A_118 = arith.constant 0 : i32
    %dma_start3A_119 = tpu.memref_slice %arg4[%add3A_117, %dma_start3A_118] : memref<425984x32xf32, #tpu.memory_space<hbm>> -> memref<832x32xf32, #tpu.memory_space<hbm>>
    %dma_start3A_120 = arith.constant 0 : i32
    %dma_start3A_121 = tpu.memref_slice %arg4[%add3A_117, %dma_start3A_120] : memref<425984x32xf32, #tpu.memory_space<hbm>> -> memref<832x32xf32, #tpu.memory_space<hbm>>
    tpu.enqueue_dma source(%arg7 : memref<832x32xf32, #tpu.memory_space<vmem>>) target(%dma_start3A_121 : memref<832x32xf32, #tpu.memory_space<hbm>>) target_semaphore(%arg13 : memref<!tpu.dma_semaphore, #tpu.memory_space<semaphore_mem>>)
    %dma_wait3A_122 = arith.constant 0 : i32
    %dma_wait3A_123 = tpu.memref_slice %arg4[%add3A_93, %dma_wait3A_122] : memref<425984x32xf32, #tpu.memory_space<hbm>> -> memref<832x32xf32, #tpu.memory_space<hbm>>
    %dma_wait3A_124 = arith.constant 0 : i32
    %dma_wait3A_125 = tpu.memref_slice %arg4[%add3A_93, %dma_wait3A_124] : memref<425984x32xf32, #tpu.memory_space<hbm>> -> memref<832x32xf32, #tpu.memory_space<hbm>>
    tpu.wait_dma2 semaphore(%arg12 : memref<!tpu.dma_semaphore, #tpu.memory_space<semaphore_mem>>) src(%arg6 : memref<832x32xf32, #tpu.memory_space<vmem>>) dst(%dma_wait3A_125 : memref<832x32xf32, #tpu.memory_space<hbm>>)
    %dma_start3A_126 = arith.constant 6 : i32
    %dma_start3A_127 = arith.constant 0 : i32
    %dma_start3A_128 = tpu.memref_slice %arg5[%dma_start3A_126, %dma_start3A_127] : memref<16x832xi32, #tpu.memory_space<vmem>> -> memref<1x832xi32, #tpu.memory_space<vmem>>
    %dma_start3A_129 = tpu.memref_squeeze %dma_start3A_128 : memref<1x832xi32, #tpu.memory_space<vmem>> -> memref<832xi32, #tpu.memory_space<vmem>>
    %dma_start3A_130 = arith.constant 0 : i32
    %dma_start3A_131 = arith.constant 0 : i32
    %dma_start3A_132 = tpu.memref_slice %arg3[%dma_start3A_130, %dma_start3A_131] : memref<1000000x32xf32, #tpu.memory_space<hbm>> -> memref<1000000x32xf32, #tpu.memory_space<hbm>>
    tpu.enqueue_indirect_dma source(%dma_start3A_132 : memref<1000000x32xf32, #tpu.memory_space<hbm>>) target(%arg6 : memref<832x32xf32, #tpu.memory_space<vmem>>) offsets(%dma_start3A_129 : memref<832xi32, #tpu.memory_space<vmem>>) semaphore(%arg9 : memref<!tpu.dma_semaphore, #tpu.memory_space<semaphore_mem>>)
    %dma_wait3A_133 = arith.constant 5 : i32
    %dma_wait3A_134 = arith.constant 0 : i32
    %dma_wait3A_135 = tpu.memref_slice %arg5[%dma_wait3A_133, %dma_wait3A_134] : memref<16x832xi32, #tpu.memory_space<vmem>> -> memref<1x832xi32, #tpu.memory_space<vmem>>
    %dma_wait3A_136 = tpu.memref_squeeze %dma_wait3A_135 : memref<1x832xi32, #tpu.memory_space<vmem>> -> memref<832xi32, #tpu.memory_space<vmem>>
    %dma_wait3A_137 = arith.constant 0 : i32
    %dma_wait3A_138 = arith.constant 0 : i32
    %dma_wait3A_139 = tpu.memref_slice %arg3[%dma_wait3A_137, %dma_wait3A_138] : memref<1000000x32xf32, #tpu.memory_space<hbm>> -> memref<1000000x32xf32, #tpu.memory_space<hbm>>
    tpu.wait_indirect_dma semaphore(%arg11 : memref<!tpu.dma_semaphore, #tpu.memory_space<semaphore_mem>>) src(%dma_wait3A_139 : memref<1000000x32xf32, #tpu.memory_space<hbm>>) dst(%arg8 : memref<832x32xf32, #tpu.memory_space<vmem>>)
    %add3A_140 = arith.constant 4160 : i32
    %add3A_141 = arith.addi %mul3A_2, %add3A_140 : i32
    %dma_start3A_142 = arith.constant 0 : i32
    %dma_start3A_143 = tpu.memref_slice %arg4[%add3A_141, %dma_start3A_142] : memref<425984x32xf32, #tpu.memory_space<hbm>> -> memref<832x32xf32, #tpu.memory_space<hbm>>
    %dma_start3A_144 = arith.constant 0 : i32
    %dma_start3A_145 = tpu.memref_slice %arg4[%add3A_141, %dma_start3A_144] : memref<425984x32xf32, #tpu.memory_space<hbm>> -> memref<832x32xf32, #tpu.memory_space<hbm>>
    tpu.enqueue_dma source(%arg8 : memref<832x32xf32, #tpu.memory_space<vmem>>) target(%dma_start3A_145 : memref<832x32xf32, #tpu.memory_space<hbm>>) target_semaphore(%arg14 : memref<!tpu.dma_semaphore, #tpu.memory_space<semaphore_mem>>)
    %dma_wait3A_146 = arith.constant 0 : i32
    %dma_wait3A_147 = tpu.memref_slice %arg4[%add3A_117, %dma_wait3A_146] : memref<425984x32xf32, #tpu.memory_space<hbm>> -> memref<832x32xf32, #tpu.memory_space<hbm>>
    %dma_wait3A_148 = arith.constant 0 : i32
    %dma_wait3A_149 = tpu.memref_slice %arg4[%add3A_117, %dma_wait3A_148] : memref<425984x32xf32, #tpu.memory_space<hbm>> -> memref<832x32xf32, #tpu.memory_space<hbm>>
    tpu.wait_dma2 semaphore(%arg13 : memref<!tpu.dma_semaphore, #tpu.memory_space<semaphore_mem>>) src(%arg7 : memref<832x32xf32, #tpu.memory_space<vmem>>) dst(%dma_wait3A_149 : memref<832x32xf32, #tpu.memory_space<hbm>>)
    %dma_start3A_150 = arith.constant 7 : i32
    %dma_start3A_151 = arith.constant 0 : i32
    %dma_start3A_152 = tpu.memref_slice %arg5[%dma_start3A_150, %dma_start3A_151] : memref<16x832xi32, #tpu.memory_space<vmem>> -> memref<1x832xi32, #tpu.memory_space<vmem>>
    %dma_start3A_153 = tpu.memref_squeeze %dma_start3A_152 : memref<1x832xi32, #tpu.memory_space<vmem>> -> memref<832xi32, #tpu.memory_space<vmem>>
    %dma_start3A_154 = arith.constant 0 : i32
    %dma_start3A_155 = arith.constant 0 : i32
    %dma_start3A_156 = tpu.memref_slice %arg3[%dma_start3A_154, %dma_start3A_155] : memref<1000000x32xf32, #tpu.memory_space<hbm>> -> memref<1000000x32xf32, #tpu.memory_space<hbm>>
    tpu.enqueue_indirect_dma source(%dma_start3A_156 : memref<1000000x32xf32, #tpu.memory_space<hbm>>) target(%arg7 : memref<832x32xf32, #tpu.memory_space<vmem>>) offsets(%dma_start3A_153 : memref<832xi32, #tpu.memory_space<vmem>>) semaphore(%arg10 : memref<!tpu.dma_semaphore, #tpu.memory_space<semaphore_mem>>)
    %dma_wait3A_157 = arith.constant 6 : i32
    %dma_wait3A_158 = arith.constant 0 : i32
    %dma_wait3A_159 = tpu.memref_slice %arg5[%dma_wait3A_157, %dma_wait3A_158] : memref<16x832xi32, #tpu.memory_space<vmem>> -> memref<1x832xi32, #tpu.memory_space<vmem>>
    %dma_wait3A_160 = tpu.memref_squeeze %dma_wait3A_159 : memref<1x832xi32, #tpu.memory_space<vmem>> -> memref<832xi32, #tpu.memory_space<vmem>>
    %dma_wait3A_161 = arith.constant 0 : i32
    %dma_wait3A_162 = arith.constant 0 : i32
    %dma_wait3A_163 = tpu.memref_slice %arg3[%dma_wait3A_161, %dma_wait3A_162] : memref<1000000x32xf32, #tpu.memory_space<hbm>> -> memref<1000000x32xf32, #tpu.memory_space<hbm>>
    tpu.wait_indirect_dma semaphore(%arg9 : memref<!tpu.dma_semaphore, #tpu.memory_space<semaphore_mem>>) src(%dma_wait3A_163 : memref<1000000x32xf32, #tpu.memory_space<hbm>>) dst(%arg6 : memref<832x32xf32, #tpu.memory_space<vmem>>)
    %add3A_164 = arith.constant 4992 : i32
    %add3A_165 = arith.addi %mul3A_2, %add3A_164 : i32
    %dma_start3A_166 = arith.constant 0 : i32
    %dma_start3A_167 = tpu.memref_slice %arg4[%add3A_165, %dma_start3A_166] : memref<425984x32xf32, #tpu.memory_space<hbm>> -> memref<832x32xf32, #tpu.memory_space<hbm>>
    %dma_start3A_168 = arith.constant 0 : i32
    %dma_start3A_169 = tpu.memref_slice %arg4[%add3A_165, %dma_start3A_168] : memref<425984x32xf32, #tpu.memory_space<hbm>> -> memref<832x32xf32, #tpu.memory_space<hbm>>
    tpu.enqueue_dma source(%arg6 : memref<832x32xf32, #tpu.memory_space<vmem>>) target(%dma_start3A_169 : memref<832x32xf32, #tpu.memory_space<hbm>>) target_semaphore(%arg12 : memref<!tpu.dma_semaphore, #tpu.memory_space<semaphore_mem>>)
    %dma_wait3A_170 = arith.constant 0 : i32
    %dma_wait3A_171 = tpu.memref_slice %arg4[%add3A_141, %dma_wait3A_170] : memref<425984x32xf32, #tpu.memory_space<hbm>> -> memref<832x32xf32, #tpu.memory_space<hbm>>
    %dma_wait3A_172 = arith.constant 0 : i32
    %dma_wait3A_173 = tpu.memref_slice %arg4[%add3A_141, %dma_wait3A_172] : memref<425984x32xf32, #tpu.memory_space<hbm>> -> memref<832x32xf32, #tpu.memory_space<hbm>>
    tpu.wait_dma2 semaphore(%arg14 : memref<!tpu.dma_semaphore, #tpu.memory_space<semaphore_mem>>) src(%arg8 : memref<832x32xf32, #tpu.memory_space<vmem>>) dst(%dma_wait3A_173 : memref<832x32xf32, #tpu.memory_space<hbm>>)
    %dma_start3A_174 = arith.constant 8 : i32
    %dma_start3A_175 = arith.constant 0 : i32
    %dma_start3A_176 = tpu.memref_slice %arg5[%dma_start3A_174, %dma_start3A_175] : memref<16x832xi32, #tpu.memory_space<vmem>> -> memref<1x832xi32, #tpu.memory_space<vmem>>
    %dma_start3A_177 = tpu.memref_squeeze %dma_start3A_176 : memref<1x832xi32, #tpu.memory_space<vmem>> -> memref<832xi32, #tpu.memory_space<vmem>>
    %dma_start3A_178 = arith.constant 0 : i32
    %dma_start3A_179 = arith.constant 0 : i32
    %dma_start3A_180 = tpu.memref_slice %arg3[%dma_start3A_178, %dma_start3A_179] : memref<1000000x32xf32, #tpu.memory_space<hbm>> -> memref<1000000x32xf32, #tpu.memory_space<hbm>>
    tpu.enqueue_indirect_dma source(%dma_start3A_180 : memref<1000000x32xf32, #tpu.memory_space<hbm>>) target(%arg8 : memref<832x32xf32, #tpu.memory_space<vmem>>) offsets(%dma_start3A_177 : memref<832xi32, #tpu.memory_space<vmem>>) semaphore(%arg11 : memref<!tpu.dma_semaphore, #tpu.memory_space<semaphore_mem>>)
    %dma_wait3A_181 = arith.constant 7 : i32
    %dma_wait3A_182 = arith.constant 0 : i32
    %dma_wait3A_183 = tpu.memref_slice %arg5[%dma_wait3A_181, %dma_wait3A_182] : memref<16x832xi32, #tpu.memory_space<vmem>> -> memref<1x832xi32, #tpu.memory_space<vmem>>
    %dma_wait3A_184 = tpu.memref_squeeze %dma_wait3A_183 : memref<1x832xi32, #tpu.memory_space<vmem>> -> memref<832xi32, #tpu.memory_space<vmem>>
    %dma_wait3A_185 = arith.constant 0 : i32
    %dma_wait3A_186 = arith.constant 0 : i32
    %dma_wait3A_187 = tpu.memref_slice %arg3[%dma_wait3A_185, %dma_wait3A_186] : memref<1000000x32xf32, #tpu.memory_space<hbm>> -> memref<1000000x32xf32, #tpu.memory_space<hbm>>
    tpu.wait_indirect_dma semaphore(%arg10 : memref<!tpu.dma_semaphore, #tpu.memory_space<semaphore_mem>>) src(%dma_wait3A_187 : memref<1000000x32xf32, #tpu.memory_space<hbm>>) dst(%arg7 : memref<832x32xf32, #tpu.memory_space<vmem>>)
    %add3A_188 = arith.constant 5824 : i32
    %add3A_189 = arith.addi %mul3A_2, %add3A_188 : i32
    %dma_start3A_190 = arith.constant 0 : i32
    %dma_start3A_191 = tpu.memref_slice %arg4[%add3A_189, %dma_start3A_190] : memref<425984x32xf32, #tpu.memory_space<hbm>> -> memref<832x32xf32, #tpu.memory_space<hbm>>
    %dma_start3A_192 = arith.constant 0 : i32
    %dma_start3A_193 = tpu.memref_slice %arg4[%add3A_189, %dma_start3A_192] : memref<425984x32xf32, #tpu.memory_space<hbm>> -> memref<832x32xf32, #tpu.memory_space<hbm>>
    tpu.enqueue_dma source(%arg7 : memref<832x32xf32, #tpu.memory_space<vmem>>) target(%dma_start3A_193 : memref<832x32xf32, #tpu.memory_space<hbm>>) target_semaphore(%arg13 : memref<!tpu.dma_semaphore, #tpu.memory_space<semaphore_mem>>)
    %dma_wait3A_194 = arith.constant 0 : i32
    %dma_wait3A_195 = tpu.memref_slice %arg4[%add3A_165, %dma_wait3A_194] : memref<425984x32xf32, #tpu.memory_space<hbm>> -> memref<832x32xf32, #tpu.memory_space<hbm>>
    %dma_wait3A_196 = arith.constant 0 : i32
    %dma_wait3A_197 = tpu.memref_slice %arg4[%add3A_165, %dma_wait3A_196] : memref<425984x32xf32, #tpu.memory_space<hbm>> -> memref<832x32xf32, #tpu.memory_space<hbm>>
    tpu.wait_dma2 semaphore(%arg12 : memref<!tpu.dma_semaphore, #tpu.memory_space<semaphore_mem>>) src(%arg6 : memref<832x32xf32, #tpu.memory_space<vmem>>) dst(%dma_wait3A_197 : memref<832x32xf32, #tpu.memory_space<hbm>>)
    %dma_start3A_198 = arith.constant 9 : i32
    %dma_start3A_199 = arith.constant 0 : i32
    %dma_start3A_200 = tpu.memref_slice %arg5[%dma_start3A_198, %dma_start3A_199] : memref<16x832xi32, #tpu.memory_space<vmem>> -> memref<1x832xi32, #tpu.memory_space<vmem>>
    %dma_start3A_201 = tpu.memref_squeeze %dma_start3A_200 : memref<1x832xi32, #tpu.memory_space<vmem>> -> memref<832xi32, #tpu.memory_space<vmem>>
    %dma_start3A_202 = arith.constant 0 : i32
    %dma_start3A_203 = arith.constant 0 : i32
    %dma_start3A_204 = tpu.memref_slice %arg3[%dma_start3A_202, %dma_start3A_203] : memref<1000000x32xf32, #tpu.memory_space<hbm>> -> memref<1000000x32xf32, #tpu.memory_space<hbm>>
    tpu.enqueue_indirect_dma source(%dma_start3A_204 : memref<1000000x32xf32, #tpu.memory_space<hbm>>) target(%arg6 : memref<832x32xf32, #tpu.memory_space<vmem>>) offsets(%dma_start3A_201 : memref<832xi32, #tpu.memory_space<vmem>>) semaphore(%arg9 : memref<!tpu.dma_semaphore, #tpu.memory_space<semaphore_mem>>)
    %dma_wait3A_205 = arith.constant 8 : i32
    %dma_wait3A_206 = arith.constant 0 : i32
    %dma_wait3A_207 = tpu.memref_slice %arg5[%dma_wait3A_205, %dma_wait3A_206] : memref<16x832xi32, #tpu.memory_space<vmem>> -> memref<1x832xi32, #tpu.memory_space<vmem>>
    %dma_wait3A_208 = tpu.memref_squeeze %dma_wait3A_207 : memref<1x832xi32, #tpu.memory_space<vmem>> -> memref<832xi32, #tpu.memory_space<vmem>>
    %dma_wait3A_209 = arith.constant 0 : i32
    %dma_wait3A_210 = arith.constant 0 : i32
    %dma_wait3A_211 = tpu.memref_slice %arg3[%dma_wait3A_209, %dma_wait3A_210] : memref<1000000x32xf32, #tpu.memory_space<hbm>> -> memref<1000000x32xf32, #tpu.memory_space<hbm>>
    tpu.wait_indirect_dma semaphore(%arg11 : memref<!tpu.dma_semaphore, #tpu.memory_space<semaphore_mem>>) src(%dma_wait3A_211 : memref<1000000x32xf32, #tpu.memory_space<hbm>>) dst(%arg8 : memref<832x32xf32, #tpu.memory_space<vmem>>)
    %add3A_212 = arith.constant 6656 : i32
    %add3A_213 = arith.addi %mul3A_2, %add3A_212 : i32
    %dma_start3A_214 = arith.constant 0 : i32
    %dma_start3A_215 = tpu.memref_slice %arg4[%add3A_213, %dma_start3A_214] : memref<425984x32xf32, #tpu.memory_space<hbm>> -> memref<832x32xf32, #tpu.memory_space<hbm>>
    %dma_start3A_216 = arith.constant 0 : i32
    %dma_start3A_217 = tpu.memref_slice %arg4[%add3A_213, %dma_start3A_216] : memref<425984x32xf32, #tpu.memory_space<hbm>> -> memref<832x32xf32, #tpu.memory_space<hbm>>
    tpu.enqueue_dma source(%arg8 : memref<832x32xf32, #tpu.memory_space<vmem>>) target(%dma_start3A_217 : memref<832x32xf32, #tpu.memory_space<hbm>>) target_semaphore(%arg14 : memref<!tpu.dma_semaphore, #tpu.memory_space<semaphore_mem>>)
    %dma_wait3A_218 = arith.constant 0 : i32
    %dma_wait3A_219 = tpu.memref_slice %arg4[%add3A_189, %dma_wait3A_218] : memref<425984x32xf32, #tpu.memory_space<hbm>> -> memref<832x32xf32, #tpu.memory_space<hbm>>
    %dma_wait3A_220 = arith.constant 0 : i32
    %dma_wait3A_221 = tpu.memref_slice %arg4[%add3A_189, %dma_wait3A_220] : memref<425984x32xf32, #tpu.memory_space<hbm>> -> memref<832x32xf32, #tpu.memory_space<hbm>>
    tpu.wait_dma2 semaphore(%arg13 : memref<!tpu.dma_semaphore, #tpu.memory_space<semaphore_mem>>) src(%arg7 : memref<832x32xf32, #tpu.memory_space<vmem>>) dst(%dma_wait3A_221 : memref<832x32xf32, #tpu.memory_space<hbm>>)
    %dma_start3A_222 = arith.constant 10 : i32
    %dma_start3A_223 = arith.constant 0 : i32
    %dma_start3A_224 = tpu.memref_slice %arg5[%dma_start3A_222, %dma_start3A_223] : memref<16x832xi32, #tpu.memory_space<vmem>> -> memref<1x832xi32, #tpu.memory_space<vmem>>
    %dma_start3A_225 = tpu.memref_squeeze %dma_start3A_224 : memref<1x832xi32, #tpu.memory_space<vmem>> -> memref<832xi32, #tpu.memory_space<vmem>>
    %dma_start3A_226 = arith.constant 0 : i32
    %dma_start3A_227 = arith.constant 0 : i32
    %dma_start3A_228 = tpu.memref_slice %arg3[%dma_start3A_226, %dma_start3A_227] : memref<1000000x32xf32, #tpu.memory_space<hbm>> -> memref<1000000x32xf32, #tpu.memory_space<hbm>>
    tpu.enqueue_indirect_dma source(%dma_start3A_228 : memref<1000000x32xf32, #tpu.memory_space<hbm>>) target(%arg7 : memref<832x32xf32, #tpu.memory_space<vmem>>) offsets(%dma_start3A_225 : memref<832xi32, #tpu.memory_space<vmem>>) semaphore(%arg10 : memref<!tpu.dma_semaphore, #tpu.memory_space<semaphore_mem>>)
    %dma_wait3A_229 = arith.constant 9 : i32
    %dma_wait3A_230 = arith.constant 0 : i32
    %dma_wait3A_231 = tpu.memref_slice %arg5[%dma_wait3A_229, %dma_wait3A_230] : memref<16x832xi32, #tpu.memory_space<vmem>> -> memref<1x832xi32, #tpu.memory_space<vmem>>
    %dma_wait3A_232 = tpu.memref_squeeze %dma_wait3A_231 : memref<1x832xi32, #tpu.memory_space<vmem>> -> memref<832xi32, #tpu.memory_space<vmem>>
    %dma_wait3A_233 = arith.constant 0 : i32
    %dma_wait3A_234 = arith.constant 0 : i32
    %dma_wait3A_235 = tpu.memref_slice %arg3[%dma_wait3A_233, %dma_wait3A_234] : memref<1000000x32xf32, #tpu.memory_space<hbm>> -> memref<1000000x32xf32, #tpu.memory_space<hbm>>
    tpu.wait_indirect_dma semaphore(%arg9 : memref<!tpu.dma_semaphore, #tpu.memory_space<semaphore_mem>>) src(%dma_wait3A_235 : memref<1000000x32xf32, #tpu.memory_space<hbm>>) dst(%arg6 : memref<832x32xf32, #tpu.memory_space<vmem>>)
    %add3A_236 = arith.constant 7488 : i32
    %add3A_237 = arith.addi %mul3A_2, %add3A_236 : i32
    %dma_start3A_238 = arith.constant 0 : i32
    %dma_start3A_239 = tpu.memref_slice %arg4[%add3A_237, %dma_start3A_238] : memref<425984x32xf32, #tpu.memory_space<hbm>> -> memref<832x32xf32, #tpu.memory_space<hbm>>
    %dma_start3A_240 = arith.constant 0 : i32
    %dma_start3A_241 = tpu.memref_slice %arg4[%add3A_237, %dma_start3A_240] : memref<425984x32xf32, #tpu.memory_space<hbm>> -> memref<832x32xf32, #tpu.memory_space<hbm>>
    tpu.enqueue_dma source(%arg6 : memref<832x32xf32, #tpu.memory_space<vmem>>) target(%dma_start3A_241 : memref<832x32xf32, #tpu.memory_space<hbm>>) target_semaphore(%arg12 : memref<!tpu.dma_semaphore, #tpu.memory_space<semaphore_mem>>)
    %dma_wait3A_242 = arith.constant 0 : i32
    %dma_wait3A_243 = tpu.memref_slice %arg4[%add3A_213, %dma_wait3A_242] : memref<425984x32xf32, #tpu.memory_space<hbm>> -> memref<832x32xf32, #tpu.memory_space<hbm>>
    %dma_wait3A_244 = arith.constant 0 : i32
    %dma_wait3A_245 = tpu.memref_slice %arg4[%add3A_213, %dma_wait3A_244] : memref<425984x32xf32, #tpu.memory_space<hbm>> -> memref<832x32xf32, #tpu.memory_space<hbm>>
    tpu.wait_dma2 semaphore(%arg14 : memref<!tpu.dma_semaphore, #tpu.memory_space<semaphore_mem>>) src(%arg8 : memref<832x32xf32, #tpu.memory_space<vmem>>) dst(%dma_wait3A_245 : memref<832x32xf32, #tpu.memory_space<hbm>>)
    %dma_start3A_246 = arith.constant 11 : i32
    %dma_start3A_247 = arith.constant 0 : i32
    %dma_start3A_248 = tpu.memref_slice %arg5[%dma_start3A_246, %dma_start3A_247] : memref<16x832xi32, #tpu.memory_space<vmem>> -> memref<1x832xi32, #tpu.memory_space<vmem>>
    %dma_start3A_249 = tpu.memref_squeeze %dma_start3A_248 : memref<1x832xi32, #tpu.memory_space<vmem>> -> memref<832xi32, #tpu.memory_space<vmem>>
    %dma_start3A_250 = arith.constant 0 : i32
    %dma_start3A_251 = arith.constant 0 : i32
    %dma_start3A_252 = tpu.memref_slice %arg3[%dma_start3A_250, %dma_start3A_251] : memref<1000000x32xf32, #tpu.memory_space<hbm>> -> memref<1000000x32xf32, #tpu.memory_space<hbm>>
    tpu.enqueue_indirect_dma source(%dma_start3A_252 : memref<1000000x32xf32, #tpu.memory_space<hbm>>) target(%arg8 : memref<832x32xf32, #tpu.memory_space<vmem>>) offsets(%dma_start3A_249 : memref<832xi32, #tpu.memory_space<vmem>>) semaphore(%arg11 : memref<!tpu.dma_semaphore, #tpu.memory_space<semaphore_mem>>)
    %dma_wait3A_253 = arith.constant 10 : i32
    %dma_wait3A_254 = arith.constant 0 : i32
    %dma_wait3A_255 = tpu.memref_slice %arg5[%dma_wait3A_253, %dma_wait3A_254] : memref<16x832xi32, #tpu.memory_space<vmem>> -> memref<1x832xi32, #tpu.memory_space<vmem>>
    %dma_wait3A_256 = tpu.memref_squeeze %dma_wait3A_255 : memref<1x832xi32, #tpu.memory_space<vmem>> -> memref<832xi32, #tpu.memory_space<vmem>>
    %dma_wait3A_257 = arith.constant 0 : i32
    %dma_wait3A_258 = arith.constant 0 : i32
    %dma_wait3A_259 = tpu.memref_slice %arg3[%dma_wait3A_257, %dma_wait3A_258] : memref<1000000x32xf32, #tpu.memory_space<hbm>> -> memref<1000000x32xf32, #tpu.memory_space<hbm>>
    tpu.wait_indirect_dma semaphore(%arg10 : memref<!tpu.dma_semaphore, #tpu.memory_space<semaphore_mem>>) src(%dma_wait3A_259 : memref<1000000x32xf32, #tpu.memory_space<hbm>>) dst(%arg7 : memref<832x32xf32, #tpu.memory_space<vmem>>)
    %add3A_260 = arith.constant 8320 : i32
    %add3A_261 = arith.addi %mul3A_2, %add3A_260 : i32
    %dma_start3A_262 = arith.constant 0 : i32
    %dma_start3A_263 = tpu.memref_slice %arg4[%add3A_261, %dma_start3A_262] : memref<425984x32xf32, #tpu.memory_space<hbm>> -> memref<832x32xf32, #tpu.memory_space<hbm>>
    %dma_start3A_264 = arith.constant 0 : i32
    %dma_start3A_265 = tpu.memref_slice %arg4[%add3A_261, %dma_start3A_264] : memref<425984x32xf32, #tpu.memory_space<hbm>> -> memref<832x32xf32, #tpu.memory_space<hbm>>
    tpu.enqueue_dma source(%arg7 : memref<832x32xf32, #tpu.memory_space<vmem>>) target(%dma_start3A_265 : memref<832x32xf32, #tpu.memory_space<hbm>>) target_semaphore(%arg13 : memref<!tpu.dma_semaphore, #tpu.memory_space<semaphore_mem>>)
    %dma_wait3A_266 = arith.constant 0 : i32
    %dma_wait3A_267 = tpu.memref_slice %arg4[%add3A_237, %dma_wait3A_266] : memref<425984x32xf32, #tpu.memory_space<hbm>> -> memref<832x32xf32, #tpu.memory_space<hbm>>
    %dma_wait3A_268 = arith.constant 0 : i32
    %dma_wait3A_269 = tpu.memref_slice %arg4[%add3A_237, %dma_wait3A_268] : memref<425984x32xf32, #tpu.memory_space<hbm>> -> memref<832x32xf32, #tpu.memory_space<hbm>>
    tpu.wait_dma2 semaphore(%arg12 : memref<!tpu.dma_semaphore, #tpu.memory_space<semaphore_mem>>) src(%arg6 : memref<832x32xf32, #tpu.memory_space<vmem>>) dst(%dma_wait3A_269 : memref<832x32xf32, #tpu.memory_space<hbm>>)
    %dma_start3A_270 = arith.constant 12 : i32
    %dma_start3A_271 = arith.constant 0 : i32
    %dma_start3A_272 = tpu.memref_slice %arg5[%dma_start3A_270, %dma_start3A_271] : memref<16x832xi32, #tpu.memory_space<vmem>> -> memref<1x832xi32, #tpu.memory_space<vmem>>
    %dma_start3A_273 = tpu.memref_squeeze %dma_start3A_272 : memref<1x832xi32, #tpu.memory_space<vmem>> -> memref<832xi32, #tpu.memory_space<vmem>>
    %dma_start3A_274 = arith.constant 0 : i32
    %dma_start3A_275 = arith.constant 0 : i32
    %dma_start3A_276 = tpu.memref_slice %arg3[%dma_start3A_274, %dma_start3A_275] : memref<1000000x32xf32, #tpu.memory_space<hbm>> -> memref<1000000x32xf32, #tpu.memory_space<hbm>>
    tpu.enqueue_indirect_dma source(%dma_start3A_276 : memref<1000000x32xf32, #tpu.memory_space<hbm>>) target(%arg6 : memref<832x32xf32, #tpu.memory_space<vmem>>) offsets(%dma_start3A_273 : memref<832xi32, #tpu.memory_space<vmem>>) semaphore(%arg9 : memref<!tpu.dma_semaphore, #tpu.memory_space<semaphore_mem>>)
    %dma_wait3A_277 = arith.constant 11 : i32
    %dma_wait3A_278 = arith.constant 0 : i32
    %dma_wait3A_279 = tpu.memref_slice %arg5[%dma_wait3A_277, %dma_wait3A_278] : memref<16x832xi32, #tpu.memory_space<vmem>> -> memref<1x832xi32, #tpu.memory_space<vmem>>
    %dma_wait3A_280 = tpu.memref_squeeze %dma_wait3A_279 : memref<1x832xi32, #tpu.memory_space<vmem>> -> memref<832xi32, #tpu.memory_space<vmem>>
    %dma_wait3A_281 = arith.constant 0 : i32
    %dma_wait3A_282 = arith.constant 0 : i32
    %dma_wait3A_283 = tpu.memref_slice %arg3[%dma_wait3A_281, %dma_wait3A_282] : memref<1000000x32xf32, #tpu.memory_space<hbm>> -> memref<1000000x32xf32, #tpu.memory_space<hbm>>
    tpu.wait_indirect_dma semaphore(%arg11 : memref<!tpu.dma_semaphore, #tpu.memory_space<semaphore_mem>>) src(%dma_wait3A_283 : memref<1000000x32xf32, #tpu.memory_space<hbm>>) dst(%arg8 : memref<832x32xf32, #tpu.memory_space<vmem>>)
    %add3A_284 = arith.constant 9152 : i32
    %add3A_285 = arith.addi %mul3A_2, %add3A_284 : i32
    %dma_start3A_286 = arith.constant 0 : i32
    %dma_start3A_287 = tpu.memref_slice %arg4[%add3A_285, %dma_start3A_286] : memref<425984x32xf32, #tpu.memory_space<hbm>> -> memref<832x32xf32, #tpu.memory_space<hbm>>
    %dma_start3A_288 = arith.constant 0 : i32
    %dma_start3A_289 = tpu.memref_slice %arg4[%add3A_285, %dma_start3A_288] : memref<425984x32xf32, #tpu.memory_space<hbm>> -> memref<832x32xf32, #tpu.memory_space<hbm>>
    tpu.enqueue_dma source(%arg8 : memref<832x32xf32, #tpu.memory_space<vmem>>) target(%dma_start3A_289 : memref<832x32xf32, #tpu.memory_space<hbm>>) target_semaphore(%arg14 : memref<!tpu.dma_semaphore, #tpu.memory_space<semaphore_mem>>)
    %dma_wait3A_290 = arith.constant 0 : i32
    %dma_wait3A_291 = tpu.memref_slice %arg4[%add3A_261, %dma_wait3A_290] : memref<425984x32xf32, #tpu.memory_space<hbm>> -> memref<832x32xf32, #tpu.memory_space<hbm>>
    %dma_wait3A_292 = arith.constant 0 : i32
    %dma_wait3A_293 = tpu.memref_slice %arg4[%add3A_261, %dma_wait3A_292] : memref<425984x32xf32, #tpu.memory_space<hbm>> -> memref<832x32xf32, #tpu.memory_space<hbm>>
    tpu.wait_dma2 semaphore(%arg13 : memref<!tpu.dma_semaphore, #tpu.memory_space<semaphore_mem>>) src(%arg7 : memref<832x32xf32, #tpu.memory_space<vmem>>) dst(%dma_wait3A_293 : memref<832x32xf32, #tpu.memory_space<hbm>>)
    %dma_start3A_294 = arith.constant 13 : i32
    %dma_start3A_295 = arith.constant 0 : i32
    %dma_start3A_296 = tpu.memref_slice %arg5[%dma_start3A_294, %dma_start3A_295] : memref<16x832xi32, #tpu.memory_space<vmem>> -> memref<1x832xi32, #tpu.memory_space<vmem>>
    %dma_start3A_297 = tpu.memref_squeeze %dma_start3A_296 : memref<1x832xi32, #tpu.memory_space<vmem>> -> memref<832xi32, #tpu.memory_space<vmem>>
    %dma_start3A_298 = arith.constant 0 : i32
    %dma_start3A_299 = arith.constant 0 : i32
    %dma_start3A_300 = tpu.memref_slice %arg3[%dma_start3A_298, %dma_start3A_299] : memref<1000000x32xf32, #tpu.memory_space<hbm>> -> memref<1000000x32xf32, #tpu.memory_space<hbm>>
    tpu.enqueue_indirect_dma source(%dma_start3A_300 : memref<1000000x32xf32, #tpu.memory_space<hbm>>) target(%arg7 : memref<832x32xf32, #tpu.memory_space<vmem>>) offsets(%dma_start3A_297 : memref<832xi32, #tpu.memory_space<vmem>>) semaphore(%arg10 : memref<!tpu.dma_semaphore, #tpu.memory_space<semaphore_mem>>)
    %dma_wait3A_301 = arith.constant 12 : i32
    %dma_wait3A_302 = arith.constant 0 : i32
    %dma_wait3A_303 = tpu.memref_slice %arg5[%dma_wait3A_301, %dma_wait3A_302] : memref<16x832xi32, #tpu.memory_space<vmem>> -> memref<1x832xi32, #tpu.memory_space<vmem>>
    %dma_wait3A_304 = tpu.memref_squeeze %dma_wait3A_303 : memref<1x832xi32, #tpu.memory_space<vmem>> -> memref<832xi32, #tpu.memory_space<vmem>>
    %dma_wait3A_305 = arith.constant 0 : i32
    %dma_wait3A_306 = arith.constant 0 : i32
    %dma_wait3A_307 = tpu.memref_slice %arg3[%dma_wait3A_305, %dma_wait3A_306] : memref<1000000x32xf32, #tpu.memory_space<hbm>> -> memref<1000000x32xf32, #tpu.memory_space<hbm>>
    tpu.wait_indirect_dma semaphore(%arg9 : memref<!tpu.dma_semaphore, #tpu.memory_space<semaphore_mem>>) src(%dma_wait3A_307 : memref<1000000x32xf32, #tpu.memory_space<hbm>>) dst(%arg6 : memref<832x32xf32, #tpu.memory_space<vmem>>)
    %add3A_308 = arith.constant 9984 : i32
    %add3A_309 = arith.addi %mul3A_2, %add3A_308 : i32
    %dma_start3A_310 = arith.constant 0 : i32
    %dma_start3A_311 = tpu.memref_slice %arg4[%add3A_309, %dma_start3A_310] : memref<425984x32xf32, #tpu.memory_space<hbm>> -> memref<832x32xf32, #tpu.memory_space<hbm>>
    %dma_start3A_312 = arith.constant 0 : i32
    %dma_start3A_313 = tpu.memref_slice %arg4[%add3A_309, %dma_start3A_312] : memref<425984x32xf32, #tpu.memory_space<hbm>> -> memref<832x32xf32, #tpu.memory_space<hbm>>
    tpu.enqueue_dma source(%arg6 : memref<832x32xf32, #tpu.memory_space<vmem>>) target(%dma_start3A_313 : memref<832x32xf32, #tpu.memory_space<hbm>>) target_semaphore(%arg12 : memref<!tpu.dma_semaphore, #tpu.memory_space<semaphore_mem>>)
    %dma_wait3A_314 = arith.constant 0 : i32
    %dma_wait3A_315 = tpu.memref_slice %arg4[%add3A_285, %dma_wait3A_314] : memref<425984x32xf32, #tpu.memory_space<hbm>> -> memref<832x32xf32, #tpu.memory_space<hbm>>
    %dma_wait3A_316 = arith.constant 0 : i32
    %dma_wait3A_317 = tpu.memref_slice %arg4[%add3A_285, %dma_wait3A_316] : memref<425984x32xf32, #tpu.memory_space<hbm>> -> memref<832x32xf32, #tpu.memory_space<hbm>>
    tpu.wait_dma2 semaphore(%arg14 : memref<!tpu.dma_semaphore, #tpu.memory_space<semaphore_mem>>) src(%arg8 : memref<832x32xf32, #tpu.memory_space<vmem>>) dst(%dma_wait3A_317 : memref<832x32xf32, #tpu.memory_space<hbm>>)
    %dma_start3A_318 = arith.constant 14 : i32
    %dma_start3A_319 = arith.constant 0 : i32
    %dma_start3A_320 = tpu.memref_slice %arg5[%dma_start3A_318, %dma_start3A_319] : memref<16x832xi32, #tpu.memory_space<vmem>> -> memref<1x832xi32, #tpu.memory_space<vmem>>
    %dma_start3A_321 = tpu.memref_squeeze %dma_start3A_320 : memref<1x832xi32, #tpu.memory_space<vmem>> -> memref<832xi32, #tpu.memory_space<vmem>>
    %dma_start3A_322 = arith.constant 0 : i32
    %dma_start3A_323 = arith.constant 0 : i32
    %dma_start3A_324 = tpu.memref_slice %arg3[%dma_start3A_322, %dma_start3A_323] : memref<1000000x32xf32, #tpu.memory_space<hbm>> -> memref<1000000x32xf32, #tpu.memory_space<hbm>>
    tpu.enqueue_indirect_dma source(%dma_start3A_324 : memref<1000000x32xf32, #tpu.memory_space<hbm>>) target(%arg8 : memref<832x32xf32, #tpu.memory_space<vmem>>) offsets(%dma_start3A_321 : memref<832xi32, #tpu.memory_space<vmem>>) semaphore(%arg11 : memref<!tpu.dma_semaphore, #tpu.memory_space<semaphore_mem>>)
    %dma_wait3A_325 = arith.constant 13 : i32
    %dma_wait3A_326 = arith.constant 0 : i32
    %dma_wait3A_327 = tpu.memref_slice %arg5[%dma_wait3A_325, %dma_wait3A_326] : memref<16x832xi32, #tpu.memory_space<vmem>> -> memref<1x832xi32, #tpu.memory_space<vmem>>
    %dma_wait3A_328 = tpu.memref_squeeze %dma_wait3A_327 : memref<1x832xi32, #tpu.memory_space<vmem>> -> memref<832xi32, #tpu.memory_space<vmem>>
    %dma_wait3A_329 = arith.constant 0 : i32
    %dma_wait3A_330 = arith.constant 0 : i32
    %dma_wait3A_331 = tpu.memref_slice %arg3[%dma_wait3A_329, %dma_wait3A_330] : memref<1000000x32xf32, #tpu.memory_space<hbm>> -> memref<1000000x32xf32, #tpu.memory_space<hbm>>
    tpu.wait_indirect_dma semaphore(%arg10 : memref<!tpu.dma_semaphore, #tpu.memory_space<semaphore_mem>>) src(%dma_wait3A_331 : memref<1000000x32xf32, #tpu.memory_space<hbm>>) dst(%arg7 : memref<832x32xf32, #tpu.memory_space<vmem>>)
    %add3A_332 = arith.constant 10816 : i32
    %add3A_333 = arith.addi %mul3A_2, %add3A_332 : i32
    %dma_start3A_334 = arith.constant 0 : i32
    %dma_start3A_335 = tpu.memref_slice %arg4[%add3A_333, %dma_start3A_334] : memref<425984x32xf32, #tpu.memory_space<hbm>> -> memref<832x32xf32, #tpu.memory_space<hbm>>
    %dma_start3A_336 = arith.constant 0 : i32
    %dma_start3A_337 = tpu.memref_slice %arg4[%add3A_333, %dma_start3A_336] : memref<425984x32xf32, #tpu.memory_space<hbm>> -> memref<832x32xf32, #tpu.memory_space<hbm>>
    tpu.enqueue_dma source(%arg7 : memref<832x32xf32, #tpu.memory_space<vmem>>) target(%dma_start3A_337 : memref<832x32xf32, #tpu.memory_space<hbm>>) target_semaphore(%arg13 : memref<!tpu.dma_semaphore, #tpu.memory_space<semaphore_mem>>)
    %dma_wait3A_338 = arith.constant 0 : i32
    %dma_wait3A_339 = tpu.memref_slice %arg4[%add3A_309, %dma_wait3A_338] : memref<425984x32xf32, #tpu.memory_space<hbm>> -> memref<832x32xf32, #tpu.memory_space<hbm>>
    %dma_wait3A_340 = arith.constant 0 : i32
    %dma_wait3A_341 = tpu.memref_slice %arg4[%add3A_309, %dma_wait3A_340] : memref<425984x32xf32, #tpu.memory_space<hbm>> -> memref<832x32xf32, #tpu.memory_space<hbm>>
    tpu.wait_dma2 semaphore(%arg12 : memref<!tpu.dma_semaphore, #tpu.memory_space<semaphore_mem>>) src(%arg6 : memref<832x32xf32, #tpu.memory_space<vmem>>) dst(%dma_wait3A_341 : memref<832x32xf32, #tpu.memory_space<hbm>>)
    %dma_start3A_342 = arith.constant 15 : i32
    %dma_start3A_343 = arith.constant 0 : i32
    %dma_start3A_344 = tpu.memref_slice %arg5[%dma_start3A_342, %dma_start3A_343] : memref<16x832xi32, #tpu.memory_space<vmem>> -> memref<1x832xi32, #tpu.memory_space<vmem>>
    %dma_start3A_345 = tpu.memref_squeeze %dma_start3A_344 : memref<1x832xi32, #tpu.memory_space<vmem>> -> memref<832xi32, #tpu.memory_space<vmem>>
    %dma_start3A_346 = arith.constant 0 : i32
    %dma_start3A_347 = arith.constant 0 : i32
    %dma_start3A_348 = tpu.memref_slice %arg3[%dma_start3A_346, %dma_start3A_347] : memref<1000000x32xf32, #tpu.memory_space<hbm>> -> memref<1000000x32xf32, #tpu.memory_space<hbm>>
    tpu.enqueue_indirect_dma source(%dma_start3A_348 : memref<1000000x32xf32, #tpu.memory_space<hbm>>) target(%arg6 : memref<832x32xf32, #tpu.memory_space<vmem>>) offsets(%dma_start3A_345 : memref<832xi32, #tpu.memory_space<vmem>>) semaphore(%arg9 : memref<!tpu.dma_semaphore, #tpu.memory_space<semaphore_mem>>)
    %dma_wait3A_349 = arith.constant 14 : i32
    %dma_wait3A_350 = arith.constant 0 : i32
    %dma_wait3A_351 = tpu.memref_slice %arg5[%dma_wait3A_349, %dma_wait3A_350] : memref<16x832xi32, #tpu.memory_space<vmem>> -> memref<1x832xi32, #tpu.memory_space<vmem>>
    %dma_wait3A_352 = tpu.memref_squeeze %dma_wait3A_351 : memref<1x832xi32, #tpu.memory_space<vmem>> -> memref<832xi32, #tpu.memory_space<vmem>>
    %dma_wait3A_353 = arith.constant 0 : i32
    %dma_wait3A_354 = arith.constant 0 : i32
    %dma_wait3A_355 = tpu.memref_slice %arg3[%dma_wait3A_353, %dma_wait3A_354] : memref<1000000x32xf32, #tpu.memory_space<hbm>> -> memref<1000000x32xf32, #tpu.memory_space<hbm>>
    tpu.wait_indirect_dma semaphore(%arg11 : memref<!tpu.dma_semaphore, #tpu.memory_space<semaphore_mem>>) src(%dma_wait3A_355 : memref<1000000x32xf32, #tpu.memory_space<hbm>>) dst(%arg8 : memref<832x32xf32, #tpu.memory_space<vmem>>)
    %add3A_356 = arith.constant 11648 : i32
    %add3A_357 = arith.addi %mul3A_2, %add3A_356 : i32
    %dma_start3A_358 = arith.constant 0 : i32
    %dma_start3A_359 = tpu.memref_slice %arg4[%add3A_357, %dma_start3A_358] : memref<425984x32xf32, #tpu.memory_space<hbm>> -> memref<832x32xf32, #tpu.memory_space<hbm>>
    %dma_start3A_360 = arith.constant 0 : i32
    %dma_start3A_361 = tpu.memref_slice %arg4[%add3A_357, %dma_start3A_360] : memref<425984x32xf32, #tpu.memory_space<hbm>> -> memref<832x32xf32, #tpu.memory_space<hbm>>
    tpu.enqueue_dma source(%arg8 : memref<832x32xf32, #tpu.memory_space<vmem>>) target(%dma_start3A_361 : memref<832x32xf32, #tpu.memory_space<hbm>>) target_semaphore(%arg14 : memref<!tpu.dma_semaphore, #tpu.memory_space<semaphore_mem>>)
    %dma_wait3A_362 = arith.constant 15 : i32
    %dma_wait3A_363 = arith.constant 0 : i32
    %dma_wait3A_364 = tpu.memref_slice %arg5[%dma_wait3A_362, %dma_wait3A_363] : memref<16x832xi32, #tpu.memory_space<vmem>> -> memref<1x832xi32, #tpu.memory_space<vmem>>
    %dma_wait3A_365 = tpu.memref_squeeze %dma_wait3A_364 : memref<1x832xi32, #tpu.memory_space<vmem>> -> memref<832xi32, #tpu.memory_space<vmem>>
    %dma_wait3A_366 = arith.constant 0 : i32
    %dma_wait3A_367 = arith.constant 0 : i32
    %dma_wait3A_368 = tpu.memref_slice %arg3[%dma_wait3A_366, %dma_wait3A_367] : memref<1000000x32xf32, #tpu.memory_space<hbm>> -> memref<1000000x32xf32, #tpu.memory_space<hbm>>
    tpu.wait_indirect_dma semaphore(%arg9 : memref<!tpu.dma_semaphore, #tpu.memory_space<semaphore_mem>>) src(%dma_wait3A_368 : memref<1000000x32xf32, #tpu.memory_space<hbm>>) dst(%arg6 : memref<832x32xf32, #tpu.memory_space<vmem>>)
    %add3A_369 = arith.constant 12480 : i32
    %add3A_370 = arith.addi %mul3A_2, %add3A_369 : i32
    %dma_start3A_371 = arith.constant 0 : i32
    %dma_start3A_372 = tpu.memref_slice %arg4[%add3A_370, %dma_start3A_371] : memref<425984x32xf32, #tpu.memory_space<hbm>> -> memref<832x32xf32, #tpu.memory_space<hbm>>
    %dma_start3A_373 = arith.constant 0 : i32
    %dma_start3A_374 = tpu.memref_slice %arg4[%add3A_370, %dma_start3A_373] : memref<425984x32xf32, #tpu.memory_space<hbm>> -> memref<832x32xf32, #tpu.memory_space<hbm>>
    tpu.enqueue_dma source(%arg6 : memref<832x32xf32, #tpu.memory_space<vmem>>) target(%dma_start3A_374 : memref<832x32xf32, #tpu.memory_space<hbm>>) target_semaphore(%arg12 : memref<!tpu.dma_semaphore, #tpu.memory_space<semaphore_mem>>)
    %dma_wait3A_375 = arith.constant 0 : i32
    %dma_wait3A_376 = tpu.memref_slice %arg4[%add3A_333, %dma_wait3A_375] : memref<425984x32xf32, #tpu.memory_space<hbm>> -> memref<832x32xf32, #tpu.memory_space<hbm>>
    %dma_wait3A_377 = arith.constant 0 : i32
    %dma_wait3A_378 = tpu.memref_slice %arg4[%add3A_333, %dma_wait3A_377] : memref<425984x32xf32, #tpu.memory_space<hbm>> -> memref<832x32xf32, #tpu.memory_space<hbm>>
    tpu.wait_dma2 semaphore(%arg13 : memref<!tpu.dma_semaphore, #tpu.memory_space<semaphore_mem>>) src(%arg7 : memref<832x32xf32, #tpu.memory_space<vmem>>) dst(%dma_wait3A_378 : memref<832x32xf32, #tpu.memory_space<hbm>>)
    %dma_wait3A_379 = arith.constant 0 : i32
    %dma_wait3A_380 = tpu.memref_slice %arg4[%add3A_357, %dma_wait3A_379] : memref<425984x32xf32, #tpu.memory_space<hbm>> -> memref<832x32xf32, #tpu.memory_space<hbm>>
    %dma_wait3A_381 = arith.constant 0 : i32
    %dma_wait3A_382 = tpu.memref_slice %arg4[%add3A_357, %dma_wait3A_381] : memref<425984x32xf32, #tpu.memory_space<hbm>> -> memref<832x32xf32, #tpu.memory_space<hbm>>
    tpu.wait_dma2 semaphore(%arg14 : memref<!tpu.dma_semaphore, #tpu.memory_space<semaphore_mem>>) src(%arg8 : memref<832x32xf32, #tpu.memory_space<vmem>>) dst(%dma_wait3A_382 : memref<832x32xf32, #tpu.memory_space<hbm>>)
    %dma_wait3A_383 = arith.constant 0 : i32
    %dma_wait3A_384 = tpu.memref_slice %arg4[%add3A_370, %dma_wait3A_383] : memref<425984x32xf32, #tpu.memory_space<hbm>> -> memref<832x32xf32, #tpu.memory_space<hbm>>
    %dma_wait3A_385 = arith.constant 0 : i32
    %dma_wait3A_386 = tpu.memref_slice %arg4[%add3A_370, %dma_wait3A_385] : memref<425984x32xf32, #tpu.memory_space<hbm>> -> memref<832x32xf32, #tpu.memory_space<hbm>>
    tpu.wait_dma2 semaphore(%arg12 : memref<!tpu.dma_semaphore, #tpu.memory_space<semaphore_mem>>) src(%arg6 : memref<832x32xf32, #tpu.memory_space<vmem>>) dst(%dma_wait3A_386 : memref<832x32xf32, #tpu.memory_space<hbm>>)
    return
  }
}

</mosaic_0001>

<sc_bundles>
// kernel: _sc_gather.3.cloned.1.call-start
scs
__scs_entry_jumppad:
0x0: {  	(pc) =	sbr.rel $0x88, $3  }
0x1: {  	(tag) =	ssettag $0x0;
	lr =	simm.s32 $0x1  }
0x2: {  	[smem:$0x3F9F] =	sst lr;
	_ =	strace $0xD0000000  }
0x3: {  	_ = 	snop  }
0x4: {  	_ = 	snop  }
0x5: {  	_ = 	snop  }
0x6: {  	_ = 	snop  }
0x7: {  	_ = 	snop  }
__scs_overlays_trampoline_lowered:
0x8: {  	[smem:$0x3FAE] =	sst s0  }
0x9: {  	[smem:$0x3FAF] =	sst s1  }
0xa: {  	[smem:$0x3FB0] =	sst s2  }
0xb: {  	[smem:$0x3FB1] =	sst s3  }
0xc: {  	[smem:$0x3FB2] =	sst s4  }
0xd: {  	[smem:$0x3FB3] =	sst s5  }
0xe: {  	[smem:$0x3FB4] =	sst s6  }
0xf: {  	[smem:$0x3FB5] =	sst s7  }
0x10: {  	[smem:$0x3FB6] =	sst s8  }
0x11: {  	[smem:$0x3FB7] =	sst s9;
	s0 =	simm.s32 @!p0 $0x0  }
0x12: {  	s1 =	sld [smem:$0x3F9D];
	s0 =	simm.s32 @p0 $0x1  }
0x13: {  	[smem:$0x3FB8] =	sst s0;
	s0 =	simm.s32 @!p1 $0x0  }
0x14: {  	s2 =	sld [smem:$0x3F9C];
	s0 =	simm.s32 @p1 $0x1  }
0x15: {  	[smem:$0x3FB9] =	sst s0;
	s0 =	simm.s32 @!p2 $0x0  }
0x16: {  	s3 =	sld [smem:$0x3FDB];
	s0 =	simm.s32 @p2 $0x1  }
0x17: {  	s4 =	simm.s32 $0x1BF5;
	[smem:$0x3FBB] =	sst s0  }
0x18: {  	s0 =	sld [smem:$0x3F9E];
	_ =	swait.ge [sflag:s4], $0x0  }
0x19: {  	s7 =	sld [smem:$0x3F9F]  }
0x1a: {  	s8 =	sadd.s32 $0xFFFFE003, lr  }
0x1b: {  	s9 =	sadd.s32 $0xFFFFFEF7, lr;
	s5 =	simm.s32 $0xFFFFFFFF;
	p2 =	slt.u32 s8, $0xFFFFF086  }
0x1c: {  	p1 =	slt.u32 s9, $0xF7A;
	s5 =	simm.s32 @!p2 $0x0  }
0x1d: {  	s5 =	simm.s32 @p1 $0x1;
	p0 =	seq.s32 s7, s2  }
0x1e: {  	s7 =	smul.u32 @!p0 $0xF7A, s2;
	p2 =	seq.s32 @!p0 s5, $0x0  }
0x1f: {  	s9 =	smul.u32 $0xF7A, s1;
	s8 =	simm.s32 @!p0 $0x1BF5;
	p2 =	por !p2, p0  }
0x20: {  	[sflag:s8] =	ssyncset.s32 @!p0 $0xFFFFF086;
	s6 =	sadd.s32 @!p0 s3, s7;
	s7 =	simm.s32 @!p0 $0x108  }
0x21: {  	s3 =	sadd.s32 s3, s9;
	s6 =	sadd.s32 @!p0 $0x88, s6;
	s7 =	simm.s32 @p2 $0x1082  }
0x22: {  	[simem:s7], [sflag:s8] =	dma.local @!p0 [hbm:s6], $0xF7A  }
0x23: {  	s9 =	sor.u32 $0xD0000000, s2;
	s6 =	simm.s32 $0x108;
	_ =	swait.ge @!p0 [sflag:s8], $0x0  }
0x24: {  	s3 =	sadd.s32 $0x88, s3;
	s6 =	simm.s32 @!p1 $0x1082;
	[sflag:s4] =	ssyncset.s32 $0xFFFFF086  }
0x25: {  	[simem:s6], [sflag:s4] =	dma.local [hbm:s3], $0xF7A  }
0x26: {  	[smem:$0x3F9F] =	sst s1;
	(tag) =	ssettag s2;
	_ =	strace s9  }
0x27: {  	s1 =	sld [smem:$0x3FAF]  }
0x28: {  	s2 =	sld [smem:$0x3FB0]  }
0x29: {  	s4 =	sld [smem:$0x3FB2]  }
0x2a: {  	p0 =	seq.s32 s5, $0x0;
	s5 =	sld [smem:$0x3FB3]  }
0x2b: {  	s6 =	sld [smem:$0x3FB4]  }
0x2c: {  	s7 =	sld [smem:$0x3FB5]  }
0x2d: {  	s3 =	simm.s32 $0x108;
	s8 =	sld [smem:$0x3FB6]  }
0x2e: {  	s3 =	simm.s32 @!p0 $0x1082;
	s9 =	sld [smem:$0x3FB7]  }
0x2f: {  	lr =	sadd.s32 s0, s3;
	s0 =	sld [smem:$0x3FAE]  }
0x30: {  	s3 =	sld [smem:$0x3FB1]  }
0x31: {  	[smem:$0x3FBA] =	sst s10  }
0x32: {  	s10 =	sld [smem:$0x3FB8];
	_ =	sdelay $0x3  }
0x33: {  	p0 =	seq.s32 s10, $0x1;
	s10 =	sld [smem:$0x3FBA];
	_ =	sdelay $0x3  }
0x34: {  	[smem:$0x3FBA] =	sst s10  }
0x35: {  	s10 =	sld [smem:$0x3FB9];
	_ =	sdelay $0x3  }
0x36: {  	p1 =	seq.s32 s10, $0x1;
	s10 =	sld [smem:$0x3FBA];
	_ =	sdelay $0x3  }
0x37: {  	[smem:$0x3FBA] =	sst s10  }
0x38: {  	s10 =	sld [smem:$0x3FBB]  }
0x39: {  	_ = 	snop;
	(pc) =	sbr.ind lr, $3  }
0x3a: {  	_ = 	snop  }
0x3b: {  	_ = 	snop  }
0x3c: {  	p2 =	seq.s32 s10, $0x1;
	s10 =	sld [smem:$0x3FBA]  }
0x3d: {  	_ =	shalt  }
0x3e: {  	_ =	shalt  }
0x3f: {  	_ =	shalt  }
0x40: {  	_ =	shalt  }
0x41: {  	_ =	shalt  }
0x42: {  	_ =	shalt  }
0x43: {  	_ =	shalt  }
0x44: {  	_ =	shalt  }
0x45: {  	_ =	shalt  }
0x46: {  	_ =	shalt  }
0x47: {  	_ =	shalt  }
0x48: {  	_ =	shalt  }
0x49: {  	_ =	shalt  }
0x4a: {  	_ =	shalt  }
0x4b: {  	_ =	shalt  }
0x4c: {  	_ =	shalt  }
0x4d: {  	_ =	shalt  }
0x4e: {  	_ =	shalt  }
0x4f: {  	_ =	shalt  }
0x50: {  	_ =	shalt  }
0x51: {  	_ =	shalt  }
0x52: {  	_ =	shalt  }
0x53: {  	_ =	shalt  }
0x54: {  	_ =	shalt  }
0x55: {  	_ =	shalt  }
0x56: {  	_ =	shalt  }
0x57: {  	_ =	shalt  }
0x58: {  	_ =	shalt  }
0x59: {  	_ =	shalt  }
0x5a: {  	_ =	shalt  }
0x5b: {  	_ =	shalt  }
0x5c: {  	_ =	shalt  }
0x5d: {  	_ =	shalt  }
0x5e: {  	_ =	shalt  }
0x5f: {  	_ =	shalt  }
0x60: {  	_ =	shalt  }
0x61: {  	_ =	shalt  }
0x62: {  	_ =	shalt  }
0x63: {  	_ =	shalt  }
0x64: {  	_ =	shalt  }
0x65: {  	_ =	shalt  }
0x66: {  	_ =	shalt  }
0x67: {  	_ =	shalt  }
0x68: {  	_ =	shalt  }
0x69: {  	_ =	shalt  }
0x6a: {  	_ =	shalt  }
0x6b: {  	_ =	shalt  }
0x6c: {  	_ =	shalt  }
0x6d: {  	_ =	shalt  }
0x6e: {  	_ =	shalt  }
0x6f: {  	_ =	shalt  }
0x70: {  	_ =	shalt  }
0x71: {  	_ =	shalt  }
0x72: {  	_ =	shalt  }
0x73: {  	_ =	shalt  }
0x74: {  	_ =	shalt  }
0x75: {  	_ =	shalt  }
0x76: {  	_ =	shalt  }
0x77: {  	_ =	shalt  }
0x78: {  	_ =	shalt  }
0x79: {  	_ =	shalt  }
0x7a: {  	_ =	shalt  }
0x7b: {  	_ =	shalt  }
0x7c: {  	_ =	shalt  }
0x7d: {  	_ =	shalt  }
0x7e: {  	_ =	shalt  }
0x7f: {  	_ =	shalt  }
0x80: {  	_ =	shalt  }
0x81: {  	_ =	shalt  }
0x82: {  	_ =	shalt  }
0x83: {  	_ =	shalt  }
0x84: {  	_ =	shalt  }
0x85: {  	_ =	shalt  }
0x86: {  	_ =	shalt  }
0x87: {  	_ =	shalt  }
.Lfunc_end0:
.L_simem_size_0:
called_computation.1_lowered:
.L_overlay_start_0:
0x88: {  	s2 =	sld [smem:$0x3FD9]  }
0x89: {  	s3 =	sld [smem:$0x3FFE];
	_ =	sdelay $0x1  }
0x8a: {  	s1 =	srdreg.scid  }
0x8b: {  	s0 =	sand.u32 $0x1, s1  }
0x8c: {  	s17 =	sshll.u32 s0, $0xA;
	s2 =	sadd.s32 s3, s2  }
0x8d: {  	s2 =	sadd.s32 s2, s17  }
0x8e: {  	[smem:$0x3FC6] =	sst s2  }
0x8f: {  	_ = 	snop  }
0x90: {  	s2 =	sld [smem:$0x3FC8]  }
0x91: {  	s18 =	sld [smem:$0x3FD0];
	(tm) =	ssettm $0x1  }
0x92: {  	s4 =	sld [smem:$0x3FFB];
	_ =	sdelay $0x3  }
0x93: {  	_ =	strace s4  }
0x94: {  	s4 =	sld [smem:$0x3FFC];
	_ =	sdelay $0x3  }
0x95: {  	_ =	strace s4  }
0x96: {  	s4 =	sld [smem:$0x3FFD];
	_ =	sdelay $0x3  }
0x97: {  	_ =	strace s4  }
0x98: {  	_ =	strace $0x8FFFFFFF  }
0x99: {  	s19 =	sld [smem:$0x3FDB];
	_ =	sdelay $0x1  }
0x9a: {  	s5 =	simm.s32 $_scs_section_size  }
0x9b: {  	s6 =	simm.s32 $_size__tile_overlayer_lowered;
	s7 =	simm.s32 $_tile_overlayer_lowered  }
0x9c: {  	s22 =	simm.s32 $0x1BFF;
	s21 =	sshll.u32 s7, $0x1;
	s4 =	sadd.s32 s5, s19  }
0x9d: {  	s8 =	simm.s32 $0x0;
	s20 =	sshll.u32 s6, $0x1;
	s6 =	sadd.s32 s21, s4  }
0x9e: {  	[timem:s8], [sflag:s22] =	dma.local [hbm:s6], s20  }
0x9f: {  	_ =	swait.ge [sflag:s22], s20  }
0xa0: {  	s5 =	ssub.s32 $0x0, s20;
	[sflag:s22] =	ssyncset.done $0x0  }
0xa1: {  	[sflag:s22] =	ssyncadd.s32 s5;
	_ =	sdelay $0x1  }
0xa2: {  	s23 =	simm.s32 $0x1B8B  }
0xa3: {  	_ =	swait.ge [sflag:s23], $0x1  }
0xa4: {  	[sflag:s23] =	ssyncset.done $0x0  }
0xa5: {  	s25 =	simm.s32 $0x1B8E;
	s24 =	sld [smem:$0x3FFE];
	[sflag:s23] =	ssyncadd.s32 $0xFFFFFFFF  }
0xa6: {  	s26 =	simm.s32 $execute0_lowered;
	[smem:$0x3FD2] =	sst s25  }
0xa7: {  	s6 =	sshll.u32 s26, $0x1;
	_ =	strace $0x80000046;
	[dreg:$0x1] =	wrdreg $0xFFFFFFFF  }
0xa8: {  	s28 =	simm.s32 $_size_execute0_lowered;
	s4 =	sadd.s32 s4, s6;
	[dreg:$0x0] =	wrdreg $0x0  }
0xa9: {  	s6 =	sshll.u32 s28, $0x1;
	[dreg:$0x2] =	wrdreg s4  }
0xaa: {  	[dreg:$0x3] =	wrdreg s6  }
0xab: {  	[dreg:$0x4] =	wrdreg $0xC0  }
0xac: {  	_ =	task [dreg:s8], $0x5FFFF  }
0xad: {  	[dreg:$0x1] =	wrdreg $0xFFFFFFFF  }
0xae: {  	[dreg:$0x0] =	wrdreg $0x60  }
0xaf: {  	[dreg:$0x2] =	wrdreg s2  }
0xb0: {  	[dreg:$0x3] =	wrdreg s24  }
0xb1: {  	[dreg:$0x4] =	wrdreg s18  }
0xb2: {  	[dreg:$0x5] =	wrdreg $0x9  }
0xb3: {  	_ =	task.clear_ibuf [dreg:s8], $0x6FFFF;
	_ =	strace $0x90000046  }
0xb4: {  	s29 =	simm.s32 $0x9;
	_ =	strace $0x80000048  }
0xb5: {  	_ =	swait.ge [sflag:s29], $0x1  }
0xb6: {  	[sflag:s29] =	ssyncadd.s32 $0xFFFFFFFF  }
0xb7: {  	_ =	strace $0x90000048  }
0xb8: {  	_ =	sfence  }
0xb9: {  	s30 =	sld [smem:$0x0];
	_ =	sdelay $0x2  }
0xba: {  	s31 =	sshll.u32 s1, $0xD;
	s1 =	sshrl.u32 s1, $0x2  }
0xbb: {  	s3 =	sand.u32 $0x4000, s31;
	s1 =	sadd.s32 s1, s30  }
0xbc: {  	s0 =	sor.u32 s3, s0;
	s1 =	sshll.u32 s1, $0x11  }
0xbd: {  	s0 =	sor.u32 s1, s0  }
0xbe: {  	s0 =	sadd.s32 $0x8F2B, s0  }
0xbf: {  	[sflag:s0] =	ssyncadd.remote.s32 $0x1  }
0xc0: {  	_ =	sfence.sel $0xFFFF  }
0xc1: {  	[dreg:$0x0] =	wrdreg $0xFFFFFFFF;
	(pc) =	sbr.abs _section_cstart, $3  }
0xc2: {  	[dreg:$0x1] =	wrdreg $0xFFFFFFFF  }
0xc3: {  	_ =	task.clear_ibuf [dreg:s8], $0x2FFFF;
	_ =	strace $0x9FFFFFFF  }
0xc4: {  	(tm) =	ssettm $0x7FFFFFFF  }
0xc5: {  	_ =	shalt  }
tec
execute0_lowered:
.L_overlay_start_1:
0x0: {  	(tag) =	ssettag $0x1  }
0x1: {  	s0 =	srdreg.scid  }
0x2: {  	s2 =	stileid.u32;
	s1 =	rddreg [dreg:$0x0]  }
0x3: {  	s3 =	rddreg [dreg:$0x1];
	s0 =	sand.u32 $0x1, s0;
	s2 =	sshll.u32 s2, $0x1  }
0x4: {  	s5 =	rddreg [dreg:$0x2];
	s4 =	sor.u32 s0, s2  }
0x5: {  	s31 =	simm.s32 $0x7;
	s10 =	simm.s32 $0x340;
	s6 =	smul.u32 $0x680, s4  }
0x6: {  	s2 =	simm.s32 $0x0;
	s0 =	ssub.s32 $0x2, s0;
	s7 =	smul.u32 $0xD000, s4  }
0x7: {  	[smem:$0x7FF] =	sst s2;
	s4 =	smul.u32 $0x68000, s4;
	s25 =	sshrl.u32 s0, $0x1  }
0x8: {  	s30 =	simm.s32 $0x680;
	_ =	strace $0x80000047;
	s0 =	ssub.s32 s0, s25  }
0x9: {  	s1 =	sadd.s32 s1, s6;
	s22 =	sadd.s32 s5, s7;
	s4 =	sshrl.u32 s4, $0x3  }
0xa: {  	s0 =	smax.u32 s0, $0x1;
	[dreg:$0x4] =	wrdreg s1;
	s11 =	sadd.s32 $0xD00, s22  }
0xb: {  	s4 =	sadd.s32 s5, s4;
	p1 =	sne.s32 s0, $0x1;
	[dreg:$0x5] =	wrdreg s11  }
0xc: {  	s1 =	sadd.s32 $0xFFFFFFFF, s0;
	s12 =	sadd.s32 $0x1A00, s4;
	s0 =	rddreg [dreg:$0x4]  }
0xd: {  	s29 =	simm.s32 $0x9C0;
	s13 =	sadd.s32 $0x2700, s4;
	[dreg:$0x6] =	wrdreg s12  }
0xe: {  	s9 =	simm.s32 $0x5;
	s14 =	sadd.s32 $0x3400, s4;
	[dreg:$0x7] =	wrdreg s13  }
0xf: {  	s28 =	simm.s32 $0xD00;
	s15 =	sadd.s32 $0x4100, s4;
	[dreg:$0x8] =	wrdreg s14  }
0x10: {  	s8 =	simm.s32 $0x6;
	s16 =	sadd.s32 $0x4E00, s4;
	[dreg:$0x9] =	wrdreg s15  }
0x11: {  	p0 =	por $0x0, $0x0;
	s17 =	sadd.s32 $0x5B00, s4;
	[dreg:$0xa] =	wrdreg s16  }
0x12: {  	s3 =	sadd.s32 $0xF42C00, s3;
	s18 =	sadd.s32 $0x6800, s4;
	[dreg:$0xb] =	wrdreg s17  }
0x13: {  	s25 =	simm.s32 $0x1380;
	s19 =	sadd.s32 $0x7500, s4;
	[dreg:$0xc] =	wrdreg s18  }
0x14: {  	s6 =	simm.s32 $0x3400;
	s20 =	sadd.s32 $0x8200, s4;
	[dreg:$0xd] =	wrdreg s19  }
0x15: {  	s7 =	simm.s32 $0x1;
	s21 =	sadd.s32 $0x8F00, s4;
	[dreg:$0xe] =	wrdreg s20  }
0x16: {  	s5 =	simm.s32 $0x4;
	s23 =	sadd.s32 $0x9C00, s4;
	[dreg:$0xf] =	wrdreg s21  }
0x17: {  	s24 =	sadd.s32 $0xA900, s4;
	s26 =	sadd.s32 $0xB600, s4;
	[dreg:$0x10] =	wrdreg s23  }
0x18: {  	s4 =	sadd.s32 $0xC300, s4;
	s11 =	simm.s32 $0x10400;
	[dreg:$0x11] =	wrdreg s24  }
.Ltmp0:
0x19: {  	[dreg:$0x12] =	wrdreg s26;
	s13 =	simm.s32 $0x9C00;
	(pc) =	sbr.rel @!p1 .LBB2_3-.Ltmp0, $4  }
0x1a: {  	s14 =	simm.s32 $0x2;
	s12 =	simm.s32 $0x3;
	s26 =	simm.s32 $0x1040  }
0x1b: {  	s24 =	simm.s32 $0x16C0;
	s23 =	simm.s32 $0x1A00;
	s21 =	simm.s32 $0x1D40  }
0x1c: {  	s20 =	simm.s32 $0x2080;
	s19 =	simm.s32 $0x23C0;
	s18 =	simm.s32 $0x2700  }
0x1d: {  	s17 =	simm.s32 $0x2A40;
	s16 =	simm.s32 $0x2D80;
	s15 =	simm.s32 $0x30C0  }
0x1e: {  	[tilespmem:s2], [sflag:$0x7] =	stream.linear.gather [hbm4b:s0+s2], $0x3400, $0x38;
	[tilespmem:$0x16C00] =	vst v63  }
0x1f: {  	_ =	swait.ge [sflag:s31], $0x3400  }
0x20: {  	[sflag:s31] =	ssyncset.done $0x0  }
0x21: {  	[sflag:s31] =	ssyncadd.s32 $0xFFFFCC00  }
0x22: {  	[tilespmem:s6], [sflag:$0x1] =	stream.indirect.gather [hbm4b:s3+s10], $0x20, s2, s10, $0xb8;
	[tilespmem:$0x16C00] =	vst v63  }
0x23: {  	_ = 	snop  }
0x24: {  	[tilespmem:s13], [sflag:$0x2] =	stream.indirect.gather [hbm4b:s3+s10], $0x20, s10, s10, $0xb8;
	[tilespmem:$0x16C00] =	vst v63  }
0x25: {  	_ =	swait.ge [sflag:s7], $0x6800  }
0x26: {  	[sflag:s7] =	ssyncset.done $0x0  }
0x27: {  	[sflag:s7] =	ssyncadd.s32 $0xFFFF9800  }
0x28: {  	[hbm4b:s22+s2] =	stream.linear.scatter [tilespmem:s6], [sflag:$0x4], $0x6800, $0x38;
	[tilespmem:$0x16C00] =	vst v63  }
0x29: {  	_ = 	snop  }
0x2a: {  	[tilespmem:s11], [sflag:$0x3] =	stream.indirect.gather [hbm4b:s3+s10], $0x20, s30, s10, $0xb8;
	[tilespmem:$0x16C00] =	vst v63  }
0x2b: {  	_ =	swait.ge [sflag:s14], $0x6800  }
0x2c: {  	[sflag:s14] =	ssyncset.done $0x0  }
0x2d: {  	s0 =	rddreg [dreg:$0x5];
	[sflag:s14] =	ssyncadd.s32 $0xFFFF9800  }
0x2e: {  	[hbm4b:s0+s2] =	stream.linear.scatter [tilespmem:s13], [sflag:$0x5], $0x6800, $0x38;
	[tilespmem:$0x16C00] =	vst v63  }
0x2f: {  	_ =	swait.ge [sflag:s5], $0x6800  }
0x30: {  	[sflag:s5] =	ssyncset.done $0x0  }
0x31: {  	[sflag:s5] =	ssyncadd.s32 $0xFFFF9800  }
0x32: {  	[tilespmem:s6], [sflag:$0x1] =	stream.indirect.gather [hbm4b:s3+s10], $0x20, s29, s10, $0xb8;
	[tilespmem:$0x16C00] =	vst v63  }
0x33: {  	_ =	swait.ge [sflag:s12], $0x6800  }
0x34: {  	[sflag:s12] =	ssyncset.done $0x0  }
0x35: {  	s0 =	rddreg [dreg:$0x6];
	[sflag:s12] =	ssyncadd.s32 $0xFFFF9800  }
0x36: {  	[hbm4b:s0+s2] =	stream.linear.scatter [tilespmem:s11], [sflag:$0x6], $0x6800, $0x38;
	[tilespmem:$0x16C00] =	vst v63  }
0x37: {  	_ =	swait.ge [sflag:s9], $0x6800  }
0x38: {  	[sflag:s9] =	ssyncset.done $0x0  }
0x39: {  	[sflag:s9] =	ssyncadd.s32 $0xFFFF9800  }
0x3a: {  	[tilespmem:s13], [sflag:$0x2] =	stream.indirect.gather [hbm4b:s3+s10], $0x20, s28, s10, $0xb8;
	[tilespmem:$0x16C00] =	vst v63  }
0x3b: {  	_ =	swait.ge [sflag:s7], $0x6800  }
0x3c: {  	[sflag:s7] =	ssyncset.done $0x0  }
0x3d: {  	s0 =	rddreg [dreg:$0x7];
	[sflag:s7] =	ssyncadd.s32 $0xFFFF9800  }
0x3e: {  	[hbm4b:s0+s2] =	stream.linear.scatter [tilespmem:s6], [sflag:$0x4], $0x6800, $0x38;
	[tilespmem:$0x16C00] =	vst v63  }
0x3f: {  	_ =	swait.ge [sflag:s8], $0x6800  }
0x40: {  	[sflag:s8] =	ssyncset.done $0x0  }
0x41: {  	[sflag:s8] =	ssyncadd.s32 $0xFFFF9800  }
0x42: {  	[tilespmem:s11], [sflag:$0x3] =	stream.indirect.gather [hbm4b:s3+s10], $0x20, s26, s10, $0xb8;
	[tilespmem:$0x16C00] =	vst v63  }
0x43: {  	_ =	swait.ge [sflag:s14], $0x6800  }
0x44: {  	[sflag:s14] =	ssyncset.done $0x0  }
0x45: {  	s0 =	rddreg [dreg:$0x8];
	[sflag:s14] =	ssyncadd.s32 $0xFFFF9800  }
0x46: {  	[hbm4b:s0+s2] =	stream.linear.scatter [tilespmem:s13], [sflag:$0x5], $0x6800, $0x38;
	[tilespmem:$0x16C00] =	vst v63  }
0x47: {  	_ =	swait.ge [sflag:s5], $0x6800  }
0x48: {  	[sflag:s5] =	ssyncset.done $0x0  }
0x49: {  	[sflag:s5] =	ssyncadd.s32 $0xFFFF9800  }
0x4a: {  	[tilespmem:s6], [sflag:$0x1] =	stream.indirect.gather [hbm4b:s3+s10], $0x20, s25, s10, $0xb8;
	[tilespmem:$0x16C00] =	vst v63  }
0x4b: {  	_ =	swait.ge [sflag:s12], $0x6800  }
0x4c: {  	[sflag:s12] =	ssyncset.done $0x0  }
0x4d: {  	s0 =	rddreg [dreg:$0x9];
	[sflag:s12] =	ssyncadd.s32 $0xFFFF9800  }
0x4e: {  	[hbm4b:s0+s2] =	stream.linear.scatter [tilespmem:s11], [sflag:$0x6], $0x6800, $0x38;
	[tilespmem:$0x16C00] =	vst v63  }
0x4f: {  	_ =	swait.ge [sflag:s9], $0x6800  }
0x50: {  	[sflag:s9] =	ssyncset.done $0x0  }
0x51: {  	[sflag:s9] =	ssyncadd.s32 $0xFFFF9800  }
0x52: {  	[tilespmem:s13], [sflag:$0x2] =	stream.indirect.gather [hbm4b:s3+s10], $0x20, s24, s10, $0xb8;
	[tilespmem:$0x16C00] =	vst v63  }
0x53: {  	_ =	swait.ge [sflag:s7], $0x6800  }
0x54: {  	[sflag:s7] =	ssyncset.done $0x0  }
0x55: {  	s0 =	rddreg [dreg:$0xa];
	[sflag:s7] =	ssyncadd.s32 $0xFFFF9800  }
0x56: {  	[hbm4b:s0+s2] =	stream.linear.scatter [tilespmem:s6], [sflag:$0x4], $0x6800, $0x38;
	[tilespmem:$0x16C00] =	vst v63  }
0x57: {  	_ =	swait.ge [sflag:s8], $0x6800  }
0x58: {  	[sflag:s8] =	ssyncset.done $0x0  }
0x59: {  	[sflag:s8] =	ssyncadd.s32 $0xFFFF9800  }
0x5a: {  	[tilespmem:s11], [sflag:$0x3] =	stream.indirect.gather [hbm4b:s3+s10], $0x20, s23, s10, $0xb8;
	[tilespmem:$0x16C00] =	vst v63  }
0x5b: {  	_ =	swait.ge [sflag:s14], $0x6800  }
0x5c: {  	[sflag:s14] =	ssyncset.done $0x0  }
0x5d: {  	s0 =	rddreg [dreg:$0xb];
	[sflag:s14] =	ssyncadd.s32 $0xFFFF9800  }
0x5e: {  	[hbm4b:s0+s2] =	stream.linear.scatter [tilespmem:s13], [sflag:$0x5], $0x6800, $0x38;
	[tilespmem:$0x16C00] =	vst v63  }
0x5f: {  	_ =	swait.ge [sflag:s5], $0x6800  }
0x60: {  	[sflag:s5] =	ssyncset.done $0x0  }
0x61: {  	[sflag:s5] =	ssyncadd.s32 $0xFFFF9800  }
0x62: {  	[tilespmem:s6], [sflag:$0x1] =	stream.indirect.gather [hbm4b:s3+s10], $0x20, s21, s10, $0xb8;
	[tilespmem:$0x16C00] =	vst v63  }
0x63: {  	_ =	swait.ge [sflag:s12], $0x6800  }
0x64: {  	[sflag:s12] =	ssyncset.done $0x0  }
0x65: {  	s0 =	rddreg [dreg:$0xc];
	[sflag:s12] =	ssyncadd.s32 $0xFFFF9800  }
0x66: {  	[hbm4b:s0+s2] =	stream.linear.scatter [tilespmem:s11], [sflag:$0x6], $0x6800, $0x38;
	[tilespmem:$0x16C00] =	vst v63  }
0x67: {  	_ =	swait.ge [sflag:s9], $0x6800  }
0x68: {  	[sflag:s9] =	ssyncset.done $0x0  }
0x69: {  	[sflag:s9] =	ssyncadd.s32 $0xFFFF9800  }
0x6a: {  	[tilespmem:s13], [sflag:$0x2] =	stream.indirect.gather [hbm4b:s3+s10], $0x20, s20, s10, $0xb8;
	[tilespmem:$0x16C00] =	vst v63  }
0x6b: {  	_ =	swait.ge [sflag:s7], $0x6800  }
0x6c: {  	[sflag:s7] =	ssyncset.done $0x0  }
0x6d: {  	s0 =	rddreg [dreg:$0xd];
	[sflag:s7] =	ssyncadd.s32 $0xFFFF9800  }
0x6e: {  	[hbm4b:s0+s2] =	stream.linear.scatter [tilespmem:s6], [sflag:$0x4], $0x6800, $0x38;
	[tilespmem:$0x16C00] =	vst v63  }
0x6f: {  	_ =	swait.ge [sflag:s8], $0x6800  }
0x70: {  	[sflag:s8] =	ssyncset.done $0x0  }
0x71: {  	[sflag:s8] =	ssyncadd.s32 $0xFFFF9800  }
0x72: {  	[tilespmem:s11], [sflag:$0x3] =	stream.indirect.gather [hbm4b:s3+s10], $0x20, s19, s10, $0xb8;
	[tilespmem:$0x16C00] =	vst v63  }
0x73: {  	_ =	swait.ge [sflag:s14], $0x6800  }
0x74: {  	[sflag:s14] =	ssyncset.done $0x0  }
0x75: {  	s0 =	rddreg [dreg:$0xe];
	[sflag:s14] =	ssyncadd.s32 $0xFFFF9800  }
0x76: {  	[hbm4b:s0+s2] =	stream.linear.scatter [tilespmem:s13], [sflag:$0x5], $0x6800, $0x38;
	[tilespmem:$0x16C00] =	vst v63  }
0x77: {  	_ =	swait.ge [sflag:s5], $0x6800  }
0x78: {  	[sflag:s5] =	ssyncset.done $0x0  }
0x79: {  	[sflag:s5] =	ssyncadd.s32 $0xFFFF9800  }
0x7a: {  	[tilespmem:s6], [sflag:$0x1] =	stream.indirect.gather [hbm4b:s3+s10], $0x20, s18, s10, $0xb8;
	[tilespmem:$0x16C00] =	vst v63  }
0x7b: {  	_ =	swait.ge [sflag:s12], $0x6800  }
0x7c: {  	[sflag:s12] =	ssyncset.done $0x0  }
0x7d: {  	s0 =	rddreg [dreg:$0xf];
	[sflag:s12] =	ssyncadd.s32 $0xFFFF9800  }
0x7e: {  	[hbm4b:s0+s2] =	stream.linear.scatter [tilespmem:s11], [sflag:$0x6], $0x6800, $0x38;
	[tilespmem:$0x16C00] =	vst v63  }
0x7f: {  	_ =	swait.ge [sflag:s9], $0x6800  }
0x80: {  	[sflag:s9] =	ssyncset.done $0x0  }
0x81: {  	[sflag:s9] =	ssyncadd.s32 $0xFFFF9800  }
0x82: {  	[tilespmem:s13], [sflag:$0x2] =	stream.indirect.gather [hbm4b:s3+s10], $0x20, s17, s10, $0xb8;
	[tilespmem:$0x16C00] =	vst v63  }
0x83: {  	_ =	swait.ge [sflag:s7], $0x6800  }
0x84: {  	[sflag:s7] =	ssyncset.done $0x0  }
0x85: {  	s0 =	rddreg [dreg:$0x10];
	[sflag:s7] =	ssyncadd.s32 $0xFFFF9800  }
0x86: {  	[hbm4b:s0+s2] =	stream.linear.scatter [tilespmem:s6], [sflag:$0x4], $0x6800, $0x38;
	[tilespmem:$0x16C00] =	vst v63  }
0x87: {  	_ =	swait.ge [sflag:s8], $0x6800  }
0x88: {  	[sflag:s8] =	ssyncset.done $0x0  }
0x89: {  	[sflag:s8] =	ssyncadd.s32 $0xFFFF9800  }
0x8a: {  	[tilespmem:s11], [sflag:$0x3] =	stream.indirect.gather [hbm4b:s3+s10], $0x20, s16, s10, $0xb8;
	[tilespmem:$0x16C00] =	vst v63  }
0x8b: {  	_ =	swait.ge [sflag:s14], $0x6800  }
0x8c: {  	[sflag:s14] =	ssyncset.done $0x0  }
0x8d: {  	s0 =	rddreg [dreg:$0x11];
	[sflag:s14] =	ssyncadd.s32 $0xFFFF9800  }
0x8e: {  	[hbm4b:s0+s2] =	stream.linear.scatter [tilespmem:s13], [sflag:$0x5], $0x6800, $0x38;
	[tilespmem:$0x16C00] =	vst v63  }
0x8f: {  	_ =	swait.ge [sflag:s5], $0x6800  }
0x90: {  	[sflag:s5] =	ssyncset.done $0x0  }
0x91: {  	[sflag:s5] =	ssyncadd.s32 $0xFFFF9800  }
0x92: {  	[tilespmem:s6], [sflag:$0x1] =	stream.indirect.gather [hbm4b:s3+s10], $0x20, s15, s10, $0xb8;
	[tilespmem:$0x16C00] =	vst v63  }
0x93: {  	_ =	swait.ge [sflag:s12], $0x6800  }
0x94: {  	[sflag:s12] =	ssyncset.done $0x0  }
0x95: {  	s0 =	rddreg [dreg:$0x12];
	[sflag:s12] =	ssyncadd.s32 $0xFFFF9800  }
0x96: {  	[hbm4b:s0+s2] =	stream.linear.scatter [tilespmem:s11], [sflag:$0x6], $0x6800, $0x38;
	[tilespmem:$0x16C00] =	vst v63  }
0x97: {  	_ =	swait.ge [sflag:s7], $0x6800  }
0x98: {  	[sflag:s7] =	ssyncset.done $0x0  }
0x99: {  	[sflag:s7] =	ssyncadd.s32 $0xFFFF9800  }
0x9a: {  	[hbm4b:s4+s2] =	stream.linear.scatter [tilespmem:s6], [sflag:$0x4], $0x6800, $0x38;
	[tilespmem:$0x16C00] =	vst v63  }
0x9b: {  	_ =	swait.ge [sflag:s9], $0x6800  }
0x9c: {  	[sflag:s9] =	ssyncset.done $0x0  }
0x9d: {  	p1 =	sne.s32 s1, $0x1;
	[sflag:s9] =	ssyncadd.s32 $0xFFFF9800  }
.Ltmp1:
0x9e: {  	_ =	swait.ge [sflag:s8], $0x6800;
	(pc) =	sbr.rel @!p1 .LBB2_3-.Ltmp1, $4  }
0x9f: {  	[sflag:s8] =	ssyncset.done $0x0  }
0xa0: {  	[sflag:s8] =	ssyncadd.s32 $0xFFFF9800  }
0xa1: {  	s1 =	sadd.s32 $0xFFFFFFFF, s1;
	_ =	swait.ge [sflag:s5], $0x6800  }
0xa2: {  	p0 =	por $0x1, $0x1;
	s0 =	rddreg [dreg:$0x4];
	[sflag:s5] =	ssyncset.done $0x0  }
.LBB2_2:
0xa3: {  	[sflag:s5] =	ssyncadd.s32 $0xFFFF9800  }
0xa4: {  	[tilespmem:s2], [sflag:$0x7] =	stream.linear.gather [hbm4b:s0+s2], $0x3400, $0x38;
	[tilespmem:$0x16C00] =	vst v63  }
0xa5: {  	_ =	swait.ge [sflag:s31], $0x3400  }
0xa6: {  	[sflag:s31] =	ssyncset.done $0x0  }
0xa7: {  	[sflag:s31] =	ssyncadd.s32 $0xFFFFCC00  }
0xa8: {  	[tilespmem:s6], [sflag:$0x1] =	stream.indirect.gather [hbm4b:s3+s10], $0x20, s2, s10, $0xb8;
	[tilespmem:$0x16C00] =	vst v63  }
0xa9: {  	_ = 	snop  }
0xaa: {  	[tilespmem:s13], [sflag:$0x2] =	stream.indirect.gather [hbm4b:s3+s10], $0x20, s10, s10, $0xb8;
	[tilespmem:$0x16C00] =	vst v63  }
0xab: {  	_ =	swait.ge [sflag:s7], $0x6800  }
0xac: {  	[sflag:s7] =	ssyncset.done $0x0  }
0xad: {  	[sflag:s7] =	ssyncadd.s32 $0xFFFF9800  }
0xae: {  	[hbm4b:s22+s2] =	stream.linear.scatter [tilespmem:s6], [sflag:$0x4], $0x6800, $0x38;
	[tilespmem:$0x16C00] =	vst v63  }
0xaf: {  	_ = 	snop  }
0xb0: {  	[tilespmem:s11], [sflag:$0x3] =	stream.indirect.gather [hbm4b:s3+s10], $0x20, s30, s10, $0xb8;
	[tilespmem:$0x16C00] =	vst v63  }
0xb1: {  	_ =	swait.ge [sflag:s14], $0x6800  }
0xb2: {  	[sflag:s14] =	ssyncset.done $0x0  }
0xb3: {  	s0 =	rddreg [dreg:$0x5];
	[sflag:s14] =	ssyncadd.s32 $0xFFFF9800  }
0xb4: {  	[hbm4b:s0+s2] =	stream.linear.scatter [tilespmem:s13], [sflag:$0x5], $0x6800, $0x38;
	[tilespmem:$0x16C00] =	vst v63  }
0xb5: {  	_ =	swait.ge [sflag:s5], $0x6800  }
0xb6: {  	[sflag:s5] =	ssyncset.done $0x0  }
0xb7: {  	[sflag:s5] =	ssyncadd.s32 $0xFFFF9800  }
0xb8: {  	[tilespmem:s6], [sflag:$0x1] =	stream.indirect.gather [hbm4b:s3+s10], $0x20, s29, s10, $0xb8;
	[tilespmem:$0x16C00] =	vst v63  }
0xb9: {  	_ =	swait.ge [sflag:s12], $0x6800  }
0xba: {  	[sflag:s12] =	ssyncset.done $0x0  }
0xbb: {  	s0 =	rddreg [dreg:$0x6];
	[sflag:s12] =	ssyncadd.s32 $0xFFFF9800  }
0xbc: {  	[hbm4b:s0+s2] =	stream.linear.scatter [tilespmem:s11], [sflag:$0x6], $0x6800, $0x38;
	[tilespmem:$0x16C00] =	vst v63  }
0xbd: {  	_ =	swait.ge [sflag:s9], $0x6800  }
0xbe: {  	[sflag:s9] =	ssyncset.done $0x0  }
0xbf: {  	[sflag:s9] =	ssyncadd.s32 $0xFFFF9800  }
0xc0: {  	[tilespmem:s13], [sflag:$0x2] =	stream.indirect.gather [hbm4b:s3+s10], $0x20, s28, s10, $0xb8;
	[tilespmem:$0x16C00] =	vst v63  }
0xc1: {  	_ =	swait.ge [sflag:s7], $0x6800  }
0xc2: {  	[sflag:s7] =	ssyncset.done $0x0  }
0xc3: {  	s0 =	rddreg [dreg:$0x7];
	[sflag:s7] =	ssyncadd.s32 $0xFFFF9800  }
0xc4: {  	[hbm4b:s0+s2] =	stream.linear.scatter [tilespmem:s6], [sflag:$0x4], $0x6800, $0x38;
	[tilespmem:$0x16C00] =	vst v63  }
0xc5: {  	_ =	swait.ge [sflag:s8], $0x6800  }
0xc6: {  	[sflag:s8] =	ssyncset.done $0x0  }
0xc7: {  	[sflag:s8] =	ssyncadd.s32 $0xFFFF9800  }
0xc8: {  	[tilespmem:s11], [sflag:$0x3] =	stream.indirect.gather [hbm4b:s3+s10], $0x20, s26, s10, $0xb8;
	[tilespmem:$0x16C00] =	vst v63  }
0xc9: {  	_ =	swait.ge [sflag:s14], $0x6800  }
0xca: {  	[sflag:s14] =	ssyncset.done $0x0  }
0xcb: {  	s0 =	rddreg [dreg:$0x8];
	[sflag:s14] =	ssyncadd.s32 $0xFFFF9800  }
0xcc: {  	[hbm4b:s0+s2] =	stream.linear.scatter [tilespmem:s13], [sflag:$0x5], $0x6800, $0x38;
	[tilespmem:$0x16C00] =	vst v63  }
0xcd: {  	_ =	swait.ge [sflag:s5], $0x6800  }
0xce: {  	[sflag:s5] =	ssyncset.done $0x0  }
0xcf: {  	[sflag:s5] =	ssyncadd.s32 $0xFFFF9800  }
0xd0: {  	[tilespmem:s6], [sflag:$0x1] =	stream.indirect.gather [hbm4b:s3+s10], $0x20, s25, s10, $0xb8;
	[tilespmem:$0x16C00] =	vst v63  }
0xd1: {  	_ =	swait.ge [sflag:s12], $0x6800  }
0xd2: {  	[sflag:s12] =	ssyncset.done $0x0  }
0xd3: {  	s0 =	rddreg [dreg:$0x9];
	[sflag:s12] =	ssyncadd.s32 $0xFFFF9800  }
0xd4: {  	[hbm4b:s0+s2] =	stream.linear.scatter [tilespmem:s11], [sflag:$0x6], $0x6800, $0x38;
	[tilespmem:$0x16C00] =	vst v63  }
0xd5: {  	_ =	swait.ge [sflag:s9], $0x6800  }
0xd6: {  	[sflag:s9] =	ssyncset.done $0x0  }
0xd7: {  	[sflag:s9] =	ssyncadd.s32 $0xFFFF9800  }
0xd8: {  	[tilespmem:s13], [sflag:$0x2] =	stream.indirect.gather [hbm4b:s3+s10], $0x20, s24, s10, $0xb8;
	[tilespmem:$0x16C00] =	vst v63  }
0xd9: {  	_ =	swait.ge [sflag:s7], $0x6800  }
0xda: {  	[sflag:s7] =	ssyncset.done $0x0  }
0xdb: {  	s0 =	rddreg [dreg:$0xa];
	[sflag:s7] =	ssyncadd.s32 $0xFFFF9800  }
0xdc: {  	[hbm4b:s0+s2] =	stream.linear.scatter [tilespmem:s6], [sflag:$0x4], $0x6800, $0x38;
	[tilespmem:$0x16C00] =	vst v63  }
0xdd: {  	_ =	swait.ge [sflag:s8], $0x6800  }
0xde: {  	[sflag:s8] =	ssyncset.done $0x0  }
0xdf: {  	[sflag:s8] =	ssyncadd.s32 $0xFFFF9800  }
0xe0: {  	[tilespmem:s11], [sflag:$0x3] =	stream.indirect.gather [hbm4b:s3+s10], $0x20, s23, s10, $0xb8;
	[tilespmem:$0x16C00] =	vst v63  }
0xe1: {  	_ =	swait.ge [sflag:s14], $0x6800  }
0xe2: {  	[sflag:s14] =	ssyncset.done $0x0  }
0xe3: {  	s0 =	rddreg [dreg:$0xb];
	[sflag:s14] =	ssyncadd.s32 $0xFFFF9800  }
0xe4: {  	[hbm4b:s0+s2] =	stream.linear.scatter [tilespmem:s13], [sflag:$0x5], $0x6800, $0x38;
	[tilespmem:$0x16C00] =	vst v63  }
0xe5: {  	_ =	swait.ge [sflag:s5], $0x6800  }
0xe6: {  	[sflag:s5] =	ssyncset.done $0x0  }
0xe7: {  	[sflag:s5] =	ssyncadd.s32 $0xFFFF9800  }
0xe8: {  	[tilespmem:s6], [sflag:$0x1] =	stream.indirect.gather [hbm4b:s3+s10], $0x20, s21, s10, $0xb8;
	[tilespmem:$0x16C00] =	vst v63  }
0xe9: {  	_ =	swait.ge [sflag:s12], $0x6800  }
0xea: {  	[sflag:s12] =	ssyncset.done $0x0  }
0xeb: {  	s0 =	rddreg [dreg:$0xc];
	[sflag:s12] =	ssyncadd.s32 $0xFFFF9800  }
0xec: {  	[hbm4b:s0+s2] =	stream.linear.scatter [tilespmem:s11], [sflag:$0x6], $0x6800, $0x38;
	[tilespmem:$0x16C00] =	vst v63  }
0xed: {  	_ =	swait.ge [sflag:s9], $0x6800  }
0xee: {  	[sflag:s9] =	ssyncset.done $0x0  }
0xef: {  	[sflag:s9] =	ssyncadd.s32 $0xFFFF9800  }
0xf0: {  	[tilespmem:s13], [sflag:$0x2] =	stream.indirect.gather [hbm4b:s3+s10], $0x20, s20, s10, $0xb8;
	[tilespmem:$0x16C00] =	vst v63  }
0xf1: {  	_ =	swait.ge [sflag:s7], $0x6800  }
0xf2: {  	[sflag:s7] =	ssyncset.done $0x0  }
0xf3: {  	s0 =	rddreg [dreg:$0xd];
	[sflag:s7] =	ssyncadd.s32 $0xFFFF9800  }
0xf4: {  	[hbm4b:s0+s2] =	stream.linear.scatter [tilespmem:s6], [sflag:$0x4], $0x6800, $0x38;
	[tilespmem:$0x16C00] =	vst v63  }
0xf5: {  	_ =	swait.ge [sflag:s8], $0x6800  }
0xf6: {  	[sflag:s8] =	ssyncset.done $0x0  }
0xf7: {  	[sflag:s8] =	ssyncadd.s32 $0xFFFF9800  }
0xf8: {  	[tilespmem:s11], [sflag:$0x3] =	stream.indirect.gather [hbm4b:s3+s10], $0x20, s19, s10, $0xb8;
	[tilespmem:$0x16C00] =	vst v63  }
0xf9: {  	_ =	swait.ge [sflag:s14], $0x6800  }
0xfa: {  	[sflag:s14] =	ssyncset.done $0x0  }
0xfb: {  	s0 =	rddreg [dreg:$0xe];
	[sflag:s14] =	ssyncadd.s32 $0xFFFF9800  }
0xfc: {  	[hbm4b:s0+s2] =	stream.linear.scatter [tilespmem:s13], [sflag:$0x5], $0x6800, $0x38;
	[tilespmem:$0x16C00] =	vst v63  }
0xfd: {  	_ =	swait.ge [sflag:s5], $0x6800  }
0xfe: {  	[sflag:s5] =	ssyncset.done $0x0  }
0xff: {  	[sflag:s5] =	ssyncadd.s32 $0xFFFF9800  }
0x100: {  	[tilespmem:s6], [sflag:$0x1] =	stream.indirect.gather [hbm4b:s3+s10], $0x20, s18, s10, $0xb8;
	[tilespmem:$0x16C00] =	vst v63  }
0x101: {  	_ =	swait.ge [sflag:s12], $0x6800  }
0x102: {  	[sflag:s12] =	ssyncset.done $0x0  }
0x103: {  	s0 =	rddreg [dreg:$0xf];
	[sflag:s12] =	ssyncadd.s32 $0xFFFF9800  }
0x104: {  	[hbm4b:s0+s2] =	stream.linear.scatter [tilespmem:s11], [sflag:$0x6], $0x6800, $0x38;
	[tilespmem:$0x16C00] =	vst v63  }
0x105: {  	_ =	swait.ge [sflag:s9], $0x6800  }
0x106: {  	[sflag:s9] =	ssyncset.done $0x0  }
0x107: {  	[sflag:s9] =	ssyncadd.s32 $0xFFFF9800  }
0x108: {  	[tilespmem:s13], [sflag:$0x2] =	stream.indirect.gather [hbm4b:s3+s10], $0x20, s17, s10, $0xb8;
	[tilespmem:$0x16C00] =	vst v63  }
0x109: {  	_ =	swait.ge [sflag:s7], $0x6800  }
0x10a: {  	[sflag:s7] =	ssyncset.done $0x0  }
0x10b: {  	s0 =	rddreg [dreg:$0x10];
	[sflag:s7] =	ssyncadd.s32 $0xFFFF9800  }
0x10c: {  	[hbm4b:s0+s2] =	stream.linear.scatter [tilespmem:s6], [sflag:$0x4], $0x6800, $0x38;
	[tilespmem:$0x16C00] =	vst v63  }
0x10d: {  	_ =	swait.ge [sflag:s8], $0x6800  }
0x10e: {  	[sflag:s8] =	ssyncset.done $0x0  }
0x10f: {  	[sflag:s8] =	ssyncadd.s32 $0xFFFF9800  }
0x110: {  	[tilespmem:s11], [sflag:$0x3] =	stream.indirect.gather [hbm4b:s3+s10], $0x20, s16, s10, $0xb8;
	[tilespmem:$0x16C00] =	vst v63  }
0x111: {  	_ =	swait.ge [sflag:s14], $0x6800  }
0x112: {  	[sflag:s14] =	ssyncset.done $0x0  }
0x113: {  	s0 =	rddreg [dreg:$0x11];
	[sflag:s14] =	ssyncadd.s32 $0xFFFF9800  }
0x114: {  	[hbm4b:s0+s2] =	stream.linear.scatter [tilespmem:s13], [sflag:$0x5], $0x6800, $0x38;
	[tilespmem:$0x16C00] =	vst v63  }
0x115: {  	_ =	swait.ge [sflag:s5], $0x6800  }
0x116: {  	[sflag:s5] =	ssyncset.done $0x0  }
0x117: {  	[sflag:s5] =	ssyncadd.s32 $0xFFFF9800  }
0x118: {  	[tilespmem:s6], [sflag:$0x1] =	stream.indirect.gather [hbm4b:s3+s10], $0x20, s15, s10, $0xb8;
	[tilespmem:$0x16C00] =	vst v63  }
0x119: {  	_ =	swait.ge [sflag:s12], $0x6800  }
0x11a: {  	[sflag:s12] =	ssyncset.done $0x0  }
0x11b: {  	s0 =	rddreg [dreg:$0x12];
	[sflag:s12] =	ssyncadd.s32 $0xFFFF9800  }
0x11c: {  	[hbm4b:s0+s2] =	stream.linear.scatter [tilespmem:s11], [sflag:$0x6], $0x6800, $0x38;
	[tilespmem:$0x16C00] =	vst v63  }
0x11d: {  	_ =	swait.ge [sflag:s7], $0x6800  }
0x11e: {  	[sflag:s7] =	ssyncset.done $0x0  }
0x11f: {  	[sflag:s7] =	ssyncadd.s32 $0xFFFF9800  }
0x120: {  	[hbm4b:s4+s2] =	stream.linear.scatter [tilespmem:s6], [sflag:$0x4], $0x6800, $0x38;
	[tilespmem:$0x16C00] =	vst v63  }
0x121: {  	_ =	swait.ge [sflag:s9], $0x6800  }
0x122: {  	[sflag:s9] =	ssyncset.done $0x0  }
0x123: {  	p1 =	sne.s32 s1, $0x1;
	[sflag:s9] =	ssyncadd.s32 $0xFFFF9800  }
.Ltmp2:
0x124: {  	_ =	swait.ge [sflag:s8], $0x6800;
	(pc) =	sbr.rel @p1 .LBB2_2-.Ltmp2, $4  }
0x125: {  	[sflag:s8] =	ssyncset.done $0x0  }
0x126: {  	[sflag:s8] =	ssyncadd.s32 $0xFFFF9800  }
0x127: {  	_ =	swait.ge [sflag:s5], $0x6800  }
0x128: {  	s1 =	sadd.s32 $0xFFFFFFFF, s1;
	s0 =	rddreg [dreg:$0x4];
	[sflag:s5] =	ssyncset.done $0x0  }
.LBB2_3:
0x129: {  	[sflag:s5] =	ssyncadd.s32 @p0 $0xFFFF9800  }
0x12a: {  	[tilespmem:s2], [sflag:$0x7] =	stream.linear.gather [hbm4b:s0+s2], $0x3400, $0x38;
	[tilespmem:$0x16C00] =	vst v63  }
0x12b: {  	_ =	swait.ge [sflag:s31], $0x3400  }
0x12c: {  	[sflag:s31] =	ssyncset.done $0x0  }
0x12d: {  	[sflag:s31] =	ssyncadd.s32 $0xFFFFCC00  }
0x12e: {  	[tilespmem:s6], [sflag:$0x1] =	stream.indirect.gather [hbm4b:s3+s10], $0x20, s2, s10, $0xb8;
	[tilespmem:$0x16C00] =	vst v63  }
0x12f: {  	_ = 	snop  }
0x130: {  	[tilespmem:s13], [sflag:$0x2] =	stream.indirect.gather [hbm4b:s3+s10], $0x20, s10, s10, $0xb8;
	[tilespmem:$0x16C00] =	vst v63  }
0x131: {  	_ =	swait.ge [sflag:s7], $0x6800  }
0x132: {  	[sflag:s7] =	ssyncset.done $0x0  }
0x133: {  	[sflag:s7] =	ssyncadd.s32 $0xFFFF9800  }
0x134: {  	[hbm4b:s22+s2] =	stream.linear.scatter [tilespmem:s6], [sflag:$0x4], $0x6800, $0x38;
	[tilespmem:$0x16C00] =	vst v63  }
0x135: {  	_ = 	snop  }
0x136: {  	[tilespmem:s11], [sflag:$0x3] =	stream.indirect.gather [hbm4b:s3+s10], $0x20, s30, s10, $0xb8;
	[tilespmem:$0x16C00] =	vst v63  }
0x137: {  	_ =	swait.ge [sflag:s14], $0x6800  }
0x138: {  	[sflag:s14] =	ssyncset.done $0x0  }
0x139: {  	s1 =	rddreg [dreg:$0x5];
	[sflag:s14] =	ssyncadd.s32 $0xFFFF9800  }
0x13a: {  	[hbm4b:s1+s2] =	stream.linear.scatter [tilespmem:s13], [sflag:$0x5], $0x6800, $0x38;
	[tilespmem:$0x16C00] =	vst v63  }
0x13b: {  	_ =	swait.ge [sflag:s5], $0x6800  }
0x13c: {  	[sflag:s5] =	ssyncset.done $0x0  }
0x13d: {  	[sflag:s5] =	ssyncadd.s32 $0xFFFF9800  }
0x13e: {  	[tilespmem:s6], [sflag:$0x1] =	stream.indirect.gather [hbm4b:s3+s10], $0x20, s29, s10, $0xb8;
	[tilespmem:$0x16C00] =	vst v63  }
0x13f: {  	_ =	swait.ge [sflag:s12], $0x6800  }
0x140: {  	[sflag:s12] =	ssyncset.done $0x0  }
0x141: {  	s22 =	rddreg [dreg:$0x6];
	[sflag:s12] =	ssyncadd.s32 $0xFFFF9800  }
0x142: {  	[hbm4b:s22+s2] =	stream.linear.scatter [tilespmem:s11], [sflag:$0x6], $0x6800, $0x38;
	[tilespmem:$0x16C00] =	vst v63  }
0x143: {  	_ =	swait.ge [sflag:s9], $0x6800  }
0x144: {  	[sflag:s9] =	ssyncset.done $0x0  }
0x145: {  	[sflag:s9] =	ssyncadd.s32 $0xFFFF9800  }
0x146: {  	[tilespmem:s13], [sflag:$0x2] =	stream.indirect.gather [hbm4b:s3+s10], $0x20, s28, s10, $0xb8;
	[tilespmem:$0x16C00] =	vst v63  }
0x147: {  	_ =	swait.ge [sflag:s7], $0x6800  }
0x148: {  	[sflag:s7] =	ssyncset.done $0x0  }
0x149: {  	s29 =	rddreg [dreg:$0x7];
	[sflag:s7] =	ssyncadd.s32 $0xFFFF9800  }
0x14a: {  	[hbm4b:s29+s2] =	stream.linear.scatter [tilespmem:s6], [sflag:$0x4], $0x6800, $0x38;
	[tilespmem:$0x16C00] =	vst v63  }
0x14b: {  	_ =	swait.ge [sflag:s8], $0x6800  }
0x14c: {  	[sflag:s8] =	ssyncset.done $0x0  }
0x14d: {  	[sflag:s8] =	ssyncadd.s32 $0xFFFF9800  }
0x14e: {  	[tilespmem:s11], [sflag:$0x3] =	stream.indirect.gather [hbm4b:s3+s10], $0x20, s26, s10, $0xb8;
	[tilespmem:$0x16C00] =	vst v63  }
0x14f: {  	_ =	swait.ge [sflag:s14], $0x6800  }
0x150: {  	[sflag:s14] =	ssyncset.done $0x0  }
0x151: {  	s30 =	rddreg [dreg:$0x8];
	[sflag:s14] =	ssyncadd.s32 $0xFFFF9800  }
0x152: {  	[hbm4b:s30+s2] =	stream.linear.scatter [tilespmem:s13], [sflag:$0x5], $0x6800, $0x38;
	[tilespmem:$0x16C00] =	vst v63  }
0x153: {  	_ =	swait.ge [sflag:s5], $0x6800  }
0x154: {  	[sflag:s5] =	ssyncset.done $0x0  }
0x155: {  	[sflag:s5] =	ssyncadd.s32 $0xFFFF9800  }
0x156: {  	[tilespmem:s6], [sflag:$0x1] =	stream.indirect.gather [hbm4b:s3+s10], $0x20, s25, s10, $0xb8;
	[tilespmem:$0x16C00] =	vst v63  }
0x157: {  	_ =	swait.ge [sflag:s12], $0x6800  }
0x158: {  	[sflag:s12] =	ssyncset.done $0x0  }
0x159: {  	s31 =	rddreg [dreg:$0x9];
	[sflag:s12] =	ssyncadd.s32 $0xFFFF9800  }
0x15a: {  	[hbm4b:s31+s2] =	stream.linear.scatter [tilespmem:s11], [sflag:$0x6], $0x6800, $0x38;
	[tilespmem:$0x16C00] =	vst v63  }
0x15b: {  	_ =	swait.ge [sflag:s9], $0x6800  }
0x15c: {  	[sflag:s9] =	ssyncset.done $0x0  }
0x15d: {  	[sflag:s9] =	ssyncadd.s32 $0xFFFF9800  }
0x15e: {  	[tilespmem:s13], [sflag:$0x2] =	stream.indirect.gather [hbm4b:s3+s10], $0x20, s24, s10, $0xb8;
	[tilespmem:$0x16C00] =	vst v63  }
0x15f: {  	_ =	swait.ge [sflag:s7], $0x6800  }
0x160: {  	[sflag:s7] =	ssyncset.done $0x0  }
0x161: {  	s1 =	rddreg [dreg:$0xa];
	[sflag:s7] =	ssyncadd.s32 $0xFFFF9800  }
0x162: {  	[hbm4b:s1+s2] =	stream.linear.scatter [tilespmem:s6], [sflag:$0x4], $0x6800, $0x38;
	[tilespmem:$0x16C00] =	vst v63  }
0x163: {  	_ =	swait.ge [sflag:s8], $0x6800  }
0x164: {  	[sflag:s8] =	ssyncset.done $0x0  }
0x165: {  	[sflag:s8] =	ssyncadd.s32 $0xFFFF9800  }
0x166: {  	[tilespmem:s11], [sflag:$0x3] =	stream.indirect.gather [hbm4b:s3+s10], $0x20, s23, s10, $0xb8;
	[tilespmem:$0x16C00] =	vst v63  }
0x167: {  	_ =	swait.ge [sflag:s14], $0x6800  }
0x168: {  	[sflag:s14] =	ssyncset.done $0x0  }
0x169: {  	s22 =	rddreg [dreg:$0xb];
	[sflag:s14] =	ssyncadd.s32 $0xFFFF9800  }
0x16a: {  	[hbm4b:s22+s2] =	stream.linear.scatter [tilespmem:s13], [sflag:$0x5], $0x6800, $0x38;
	[tilespmem:$0x16C00] =	vst v63  }
0x16b: {  	_ =	swait.ge [sflag:s5], $0x6800  }
0x16c: {  	[sflag:s5] =	ssyncset.done $0x0  }
0x16d: {  	[sflag:s5] =	ssyncadd.s32 $0xFFFF9800  }
0x16e: {  	[tilespmem:s6], [sflag:$0x1] =	stream.indirect.gather [hbm4b:s3+s10], $0x20, s21, s10, $0xb8;
	[tilespmem:$0x16C00] =	vst v63  }
0x16f: {  	_ =	swait.ge [sflag:s12], $0x6800  }
0x170: {  	[sflag:s12] =	ssyncset.done $0x0  }
0x171: {  	s23 =	rddreg [dreg:$0xc];
	[sflag:s12] =	ssyncadd.s32 $0xFFFF9800  }
0x172: {  	[hbm4b:s23+s2] =	stream.linear.scatter [tilespmem:s11], [sflag:$0x6], $0x6800, $0x38;
	[tilespmem:$0x16C00] =	vst v63  }
0x173: {  	_ =	swait.ge [sflag:s9], $0x6800  }
0x174: {  	[sflag:s9] =	ssyncset.done $0x0  }
0x175: {  	[sflag:s9] =	ssyncadd.s32 $0xFFFF9800  }
0x176: {  	[tilespmem:s13], [sflag:$0x2] =	stream.indirect.gather [hbm4b:s3+s10], $0x20, s20, s10, $0xb8;
	[tilespmem:$0x16C00] =	vst v63  }
0x177: {  	_ =	swait.ge [sflag:s7], $0x6800  }
0x178: {  	[sflag:s7] =	ssyncset.done $0x0  }
0x179: {  	s24 =	rddreg [dreg:$0xd];
	[sflag:s7] =	ssyncadd.s32 $0xFFFF9800  }
0x17a: {  	[hbm4b:s24+s2] =	stream.linear.scatter [tilespmem:s6], [sflag:$0x4], $0x6800, $0x38;
	[tilespmem:$0x16C00] =	vst v63  }
0x17b: {  	_ =	swait.ge [sflag:s8], $0x6800  }
0x17c: {  	[sflag:s8] =	ssyncset.done $0x0  }
0x17d: {  	[sflag:s8] =	ssyncadd.s32 $0xFFFF9800  }
0x17e: {  	[tilespmem:s11], [sflag:$0x3] =	stream.indirect.gather [hbm4b:s3+s10], $0x20, s19, s10, $0xb8;
	[tilespmem:$0x16C00] =	vst v63  }
0x17f: {  	_ =	swait.ge [sflag:s14], $0x6800  }
0x180: {  	[sflag:s14] =	ssyncset.done $0x0  }
0x181: {  	s25 =	rddreg [dreg:$0xe];
	[sflag:s14] =	ssyncadd.s32 $0xFFFF9800  }
0x182: {  	[hbm4b:s25+s2] =	stream.linear.scatter [tilespmem:s13], [sflag:$0x5], $0x6800, $0x38;
	[tilespmem:$0x16C00] =	vst v63  }
0x183: {  	_ =	swait.ge [sflag:s5], $0x6800  }
0x184: {  	[sflag:s5] =	ssyncset.done $0x0  }
0x185: {  	[sflag:s5] =	ssyncadd.s32 $0xFFFF9800  }
0x186: {  	[tilespmem:s6], [sflag:$0x1] =	stream.indirect.gather [hbm4b:s3+s10], $0x20, s18, s10, $0xb8;
	[tilespmem:$0x16C00] =	vst v63  }
0x187: {  	_ =	swait.ge [sflag:s12], $0x6800  }
0x188: {  	[sflag:s12] =	ssyncset.done $0x0  }
0x189: {  	s26 =	rddreg [dreg:$0xf];
	[sflag:s12] =	ssyncadd.s32 $0xFFFF9800  }
0x18a: {  	[hbm4b:s26+s2] =	stream.linear.scatter [tilespmem:s11], [sflag:$0x6], $0x6800, $0x38;
	[tilespmem:$0x16C00] =	vst v63  }
0x18b: {  	_ =	swait.ge [sflag:s9], $0x6800  }
0x18c: {  	[sflag:s9] =	ssyncset.done $0x0  }
0x18d: {  	[sflag:s9] =	ssyncadd.s32 $0xFFFF9800  }
0x18e: {  	[tilespmem:s13], [sflag:$0x2] =	stream.indirect.gather [hbm4b:s3+s10], $0x20, s17, s10, $0xb8;
	[tilespmem:$0x16C00] =	vst v63  }
0x18f: {  	_ =	swait.ge [sflag:s7], $0x6800  }
0x190: {  	[sflag:s7] =	ssyncset.done $0x0  }
0x191: {  	s28 =	rddreg [dreg:$0x10];
	[sflag:s7] =	ssyncadd.s32 $0xFFFF9800  }
0x192: {  	[hbm4b:s28+s2] =	stream.linear.scatter [tilespmem:s6], [sflag:$0x4], $0x6800, $0x38;
	[tilespmem:$0x16C00] =	vst v63  }
0x193: {  	_ =	swait.ge [sflag:s8], $0x6800  }
0x194: {  	[sflag:s8] =	ssyncset.done $0x0  }
0x195: {  	[sflag:s8] =	ssyncadd.s32 $0xFFFF9800  }
0x196: {  	[tilespmem:s11], [sflag:$0x3] =	stream.indirect.gather [hbm4b:s3+s10], $0x20, s16, s10, $0xb8;
	[tilespmem:$0x16C00] =	vst v63  }
0x197: {  	_ =	swait.ge [sflag:s14], $0x6800  }
0x198: {  	[sflag:s14] =	ssyncset.done $0x0  }
0x199: {  	s29 =	rddreg [dreg:$0x11];
	[sflag:s14] =	ssyncadd.s32 $0xFFFF9800  }
0x19a: {  	[hbm4b:s29+s2] =	stream.linear.scatter [tilespmem:s13], [sflag:$0x5], $0x6800, $0x38;
	[tilespmem:$0x16C00] =	vst v63  }
0x19b: {  	_ =	swait.ge [sflag:s5], $0x6800  }
0x19c: {  	[sflag:s5] =	ssyncset.done $0x0  }
0x19d: {  	[sflag:s5] =	ssyncadd.s32 $0xFFFF9800  }
0x19e: {  	[tilespmem:s6], [sflag:$0x1] =	stream.indirect.gather [hbm4b:s3+s10], $0x20, s15, s10, $0xb8;
	[tilespmem:$0x16C00] =	vst v63  }
0x19f: {  	_ =	swait.ge [sflag:s12], $0x6800  }
0x1a0: {  	[sflag:s12] =	ssyncset.done $0x0  }
0x1a1: {  	s30 =	rddreg [dreg:$0x12];
	[sflag:s12] =	ssyncadd.s32 $0xFFFF9800  }
0x1a2: {  	[hbm4b:s30+s2] =	stream.linear.scatter [tilespmem:s11], [sflag:$0x6], $0x6800, $0x38;
	[tilespmem:$0x16C00] =	vst v63  }
0x1a3: {  	_ =	swait.ge [sflag:s7], $0x6800  }
0x1a4: {  	[sflag:s7] =	ssyncset.done $0x0  }
0x1a5: {  	[sflag:s7] =	ssyncadd.s32 $0xFFFF9800  }
0x1a6: {  	[hbm4b:s4+s2] =	stream.linear.scatter [tilespmem:s6], [sflag:$0x4], $0x6800, $0x38;
	[tilespmem:$0x16C00] =	vst v63  }
0x1a7: {  	_ =	swait.ge [sflag:s9], $0x6800  }
0x1a8: {  	[sflag:s9] =	ssyncset.done $0x0  }
0x1a9: {  	[sflag:s9] =	ssyncadd.s32 $0xFFFF9800  }
0x1aa: {  	_ =	swait.ge [sflag:s8], $0x6800  }
0x1ab: {  	[sflag:s8] =	ssyncset.done $0x0  }
0x1ac: {  	[sflag:s8] =	ssyncadd.s32 $0xFFFF9800  }
0x1ad: {  	_ =	swait.ge [sflag:s5], $0x6800  }
0x1ae: {  	[sflag:s5] =	ssyncset.done $0x0  }
0x1af: {  	[sflag:s5] =	ssyncadd.s32 $0xFFFF9800  }
0x1b0: {  	_ =	sfence.sel $0x180000  }
0x1b1: {  	[bflag:$0x0] =	sbarrier.arrive $0xFFFF  }
0x1b2: {  	_ =	strace $0x90000047  }
0x1b3: {  	s31 =	stileid.u32;
	[bflag:$0x2] =	sbarrier.arrive $0xFFFF  }
0x1b4: {  	p0 =	sne.s32 s31, $0x0;
	s0 =	rddreg [dreg:$0x3]  }
0x1b5: {  	s0 =	sadd.s32 @!p0 $0x100000, s0  }
0x1b6: {  	[sflag:s0] =	ssyncadd.tile.s32 @!p0 $0x1;
	_ =	shalt  }
.Lfunc_end2:
_tile_overlayer_lowered:
.L_overlay_start_2:
0x1b7: {  	(tag) =	ssettag $0x2  }
0x1b8: {  	s0 =	rddreg [dreg:$0x0];
	s2 =	stileid.u32  }
0x1b9: {  	s1 =	rddreg [dreg:$0x1];
	p0 =	sne.s32 s2, $0x0  }
0x1ba: {  	s3 =	rddreg [dreg:$0x2];
	[bflag:$0x3] =	sbarrier.arrive $0xFFFF;
	s2 =	simm.s32 @!p0 $0x1C07  }
0x1bb: {  	[timem:s3], [sflag:s2] =	dma.local @!p0 [hbm:s0], s1  }
0x1bc: {  	s0 =	simm.s32 @!p0 $0x7  }
0x1bd: {  	_ =	swait.ge @!p0 [sflag:s0], s1  }
0x1be: {  	s1 =	ssub.s32 @!p0 $0x0, s1;
	[sflag:s0] =	ssyncset.done @!p0 $0x0  }
0x1bf: {  	[sflag:s0] =	ssyncadd.s32 @!p0 s1  }
0x1c0: {  	[bflag:$0x3] =	sbarrier.arrive $0xFFFF  }
0x1c1: {  	_ =	shalt  }

// kernel: sparse-core-data-format-call.cloned.1.call-start
scs
called_computation_lowered:
.L_overlay_start_0:
0x0: {  	s2 =	sld [smem:$0x3FD9]  }
0x1: {  	s3 =	sld [smem:$0x3FFE];
	_ =	sdelay $0x1  }
0x2: {  	s1 =	srdreg.scid  }
0x3: {  	s0 =	sand.u32 $0x1, s1  }
0x4: {  	s18 =	sshll.u32 s0, $0xA;
	s2 =	sadd.s32 s3, s2  }
0x5: {  	s2 =	sadd.s32 s2, s18  }
0x6: {  	[smem:$0x3FC6] =	sst s2  }
0x7: {  	_ = 	snop  }
0x8: {  	s2 =	sld [smem:$0x3FD0];
	(tm) =	ssettm $0x1  }
0x9: {  	s19 =	sld [smem:$0x3FFB];
	_ =	sdelay $0x3  }
0xa: {  	_ =	strace s19  }
0xb: {  	s3 =	sld [smem:$0x3FFC];
	_ =	sdelay $0x3  }
0xc: {  	_ =	strace s3  }
0xd: {  	s3 =	sld [smem:$0x3FFD];
	_ =	sdelay $0x3  }
0xe: {  	_ =	strace s3  }
0xf: {  	_ =	strace $0x8FFFFFFF  }
0x10: {  	s20 =	sld [smem:$0x3FDB];
	_ =	sdelay $0x1  }
0x11: {  	s4 =	simm.s32 $_scs_section_size  }
0x12: {  	s5 =	simm.s32 $_size__tile_overlayer_lowered;
	s6 =	simm.s32 $_tile_overlayer_lowered  }
0x13: {  	s23 =	simm.s32 $0x1BFF;
	s22 =	sshll.u32 s6, $0x1;
	s3 =	sadd.s32 s4, s20  }
0x14: {  	s7 =	simm.s32 $0x0;
	s21 =	sshll.u32 s5, $0x1;
	s5 =	sadd.s32 s22, s3  }
0x15: {  	[timem:s7], [sflag:s23] =	dma.local [hbm:s5], s21  }
0x16: {  	_ =	swait.ge [sflag:s23], s21  }
0x17: {  	s4 =	ssub.s32 $0x0, s21;
	[sflag:s23] =	ssyncset.done $0x0  }
0x18: {  	[sflag:s23] =	ssyncadd.s32 s4;
	_ =	sdelay $0x1  }
0x19: {  	s24 =	simm.s32 $0x1B8B  }
0x1a: {  	_ =	swait.ge [sflag:s24], $0x1  }
0x1b: {  	[sflag:s24] =	ssyncset.done $0x0  }
0x1c: {  	s26 =	simm.s32 $0x1B8E;
	s25 =	sld [smem:$0x3FFE];
	[sflag:s24] =	ssyncadd.s32 $0xFFFFFFFF  }
0x1d: {  	s27 =	simm.s32 $execute0_lowered;
	[smem:$0x3FD2] =	sst s26  }
0x1e: {  	s5 =	sshll.u32 s27, $0x1;
	_ =	strace $0x80000049;
	[dreg:$0x1] =	wrdreg $0xFFFFFFFF  }
0x1f: {  	s28 =	simm.s32 $_size_execute0_lowered;
	s3 =	sadd.s32 s3, s5;
	[dreg:$0x0] =	wrdreg $0x0  }
0x20: {  	s5 =	sshll.u32 s28, $0x1;
	[dreg:$0x2] =	wrdreg s3  }
0x21: {  	[dreg:$0x3] =	wrdreg s5  }
0x22: {  	[dreg:$0x4] =	wrdreg $0xC0  }
0x23: {  	_ =	task [dreg:s7], $0x5FFFF  }
0x24: {  	[dreg:$0x1] =	wrdreg $0xFFFFFFFF  }
0x25: {  	[dreg:$0x0] =	wrdreg $0x60  }
0x26: {  	[dreg:$0x2] =	wrdreg s25  }
0x27: {  	[dreg:$0x3] =	wrdreg s2  }
0x28: {  	[dreg:$0x4] =	wrdreg $0x9  }
0x29: {  	_ =	task.clear_ibuf [dreg:s7], $0x5FFFF;
	_ =	strace $0x90000049  }
0x2a: {  	s29 =	simm.s32 $0x9;
	_ =	strace $0x8000004B  }
0x2b: {  	_ =	swait.ge [sflag:s29], $0x1  }
0x2c: {  	[sflag:s29] =	ssyncadd.s32 $0xFFFFFFFF  }
0x2d: {  	_ =	strace $0x9000004B  }
0x2e: {  	_ =	sfence  }
0x2f: {  	s30 =	sld [smem:$0x0];
	_ =	sdelay $0x2  }
0x30: {  	s31 =	sshll.u32 s1, $0xD;
	s1 =	sshrl.u32 s1, $0x2  }
0x31: {  	s3 =	sand.u32 $0x4000, s31;
	s1 =	sadd.s32 s1, s30  }
0x32: {  	s0 =	sor.u32 s3, s0;
	s1 =	sshll.u32 s1, $0x11  }
0x33: {  	s0 =	sor.u32 s1, s0  }
0x34: {  	s0 =	sadd.s32 $0x8F2B, s0  }
0x35: {  	[sflag:s0] =	ssyncadd.remote.s32 $0x1  }
0x36: {  	_ =	sfence.sel $0xFFFF  }
0x37: {  	[dreg:$0x0] =	wrdreg $0xFFFFFFFF;
	(pc) =	sbr.abs _section_cstart, $3  }
0x38: {  	[dreg:$0x1] =	wrdreg $0xFFFFFFFF  }
0x39: {  	_ =	task.clear_ibuf [dreg:s7], $0x2FFFF;
	_ =	strace $0x9FFFFFFF  }
0x3a: {  	(tm) =	ssettm $0x7FFFFFFF  }
0x3b: {  	_ =	shalt  }
tec
execute0_lowered:
.L_overlay_start_1:
0x0: {  	(tag) =	ssettag $0x1  }
0x1: {  	s0 =	srdreg.scid  }
0x2: {  	s1 =	sshll.u32 s0, $0x4  }
0x3: {  	s4 =	rddreg [dreg:$0x0];
	s0 =	stileid.u32;
	s1 =	sand.u32 $0x10, s1  }
0x4: {  	s2 =	rddreg [dreg:$0x1];
	s7 =	simm.s32 $0x1;
	s1 =	sor.u32 s0, s1  }
0x5: {  	s8 =	simm.s32 $0x2;
	s11 =	simm.s32 $0x0;
	s3 =	sshll.u32 s1, $0x7  }
0x6: {  	s10 =	simm.s32 $0x0;
	s4 =	sadd.s32 $0x800, s4;
	s6 =	ssub.s32 $0x68000, s3  }
.Ltmp0:
0x7: {  	s1 =	rddreg [dreg:$0x2];
	s5 =	sand.u32 $0xF80, s6;
	(pc) =	sbr.rel .LBB1_1-.Ltmp0, $4  }
0x8: {  	_ =	strace $0x8000004A;
	s9 =	smov.u32 s3;
	p0 =	sne.s32 s5, $0x0  }
0x9: {  	s6 =	sshrl.u32 s6, $0xC;
	s5 =	simm.s32 $0x1;
	s7 =	simm.s32 @!p0 $0x0  }
0xa: {  	[sflag:s5] =	ssyncpa.u1 $0x0;
	p0 =	por $0x0, $0x0;
	s6 =	sadd.s32 s7, s6  }
0xb: {  	[sflag:s8] =	ssyncpa.u1 $0x0;
	s8 =	simm.s32 $0x340000;
	s7 =	sadd.s32 $0x1, s6  }
.LBB1_4:
0xc: {  	s14 =	sshll.u32 s11, $0x3  }
0xd: {  	s30 =	sand.u32 $0x7F, s11;
	s15 =	sand.u32 $0xFFFFFC00, s14  }
0xe: {  	s11 =	sor.u32 s30, s15  }
0xf: {  	s15 =	smulhi.u32 $0x4EC4EC4F, s11  }
0x10: {  	s14 =	smulhi.u32 $0x4EC4EC4F, s14  }
0x11: {  	s15 =	sshrl.u32 s15, $0x11  }
0x12: {  	s14 =	sshrl.u32 s14, $0x11;
	s15 =	smul.u32 $0x68000, s15  }
0x13: {  	s14 =	sand.u32 $0x1F, s14  }
0x14: {  	s14 =	smul.u32 $0xD000, s14;
	s11 =	ssub.s32 s11, s15  }
0x15: {  	s15 =	sand.u32 $0x7, s11  }
0x16: {  	s14 =	sadd.s32 s2, s14;
	s11 =	sshrl.u32 s11, $0x3;
	s15 =	sshll.u32 s15, $0x12  }
0x17: {  	[tilespmem:s13+$0x0 ss:$0x81] =	vst.msk $0xffff, v0;
	s11 =	sadd.s32 s11, s14;
	s31 =	sor.u32 $0x400, s15  }
0x18: {  	[hbm4b:s11+s31] =	stream.strided.scatter [tilespmem:s12], [sflag:$0x2], $0x1000, s8, s31, $0x20;
	[tilespmem:$0x4040] =	vst v63  }
.LBB1_5:
0x19: {  	s13 =	sadd.s32 $0x1000, s9  }
0x1a: {  	p2 =	sgt.s32 s13, $0x67FFF  }
0x1b: {  	s13 =	smov.u32 @p2 s3;
	p2 =	sne.s32 s10, s7  }
.Ltmp1:
0x1c: {  	p1 =	slt.u32 s10, $0x2;
	(pc) =	sbr.rel @!p2 .LBB1_6-.Ltmp1, $4  }
0x1d: {  	s12 =	simm.s32 @!p1 $0x2  }
0x1e: {  	s14 =	sadd.s32 $0x1, s10;
	_ =	swait.ge @!p1 [sflag:s12], $0x1000  }
0x1f: {  	s11 =	smov.u32 s9;
	p0 =	por !p0, !p0;
	[sflag:s12] =	ssyncset.done @!p1 $0x0  }
0x20: {  	s10 =	smov.u32 s14;
	s9 =	smov.u32 s13;
	[sflag:s12] =	ssyncadd.s32 @!p1 $0xFFFFF000  }
.LBB1_1:
0x21: {  	p1 =	sge.u32 s10, s6  }
0x22: {  	s12 =	sand.u32 @!p1 $0x1FFFFFF, s9  }
0x23: {  	s13 =	smulhi.u32 @!p1 $0x2762763, s12;
	_ =	sdelay $0x1  }
0x24: {  	s13 =	sshrl.u32 @!p1 s13, $0xC  }
0x25: {  	s13 =	smul.u32 @!p1 $0x68000, s13;
	_ =	sdelay $0x1  }
0x26: {  	s31 =	sadd.s32 $0xFFFFFFFF, s10;
	s14 =	sxor.u32 @!p1 $0xFFFFFFFF, s10;
	s12 =	ssub.s32 @!p1 s12, s13  }
0x27: {  	s15 =	simm.s32 @!p1 $0x80;
	s14 =	sshll.u32 @!p1 s14, $0xC;
	s12 =	sshll.u32 @!p1 s12, $0x4  }
0x28: {  	s13 =	sand.u32 @!p1 $0x1000, s14;
	s14 =	simm.s32 @!p1 $0x20;
	s12 =	sadd.s32 @!p1 s4, s12  }
0x29: {  	[tilespmem:s13], [sflag:$0x1] =	stream.strided.gather @!p1 [hbm4b:s12+s14], $0x1000, s15, s14, $0x38;
	[tilespmem:$0x4040] =	vst v63  }
0x2a: {  	p1 =	sge.u32 s31, s6  }
.Ltmp2:
0x2b: {  	_ = 	snop;
	(pc) =	sbr.rel @p1 .LBB1_5-.Ltmp2, $1  }
0x2c: {  	_ =	sdelay $0x3  }
0x2d: {  	s12 =	simm.s32 $0x1  }
0x2e: {  	_ =	swait.ge [sflag:s5], $0x1000;
	s12 =	simm.s32 @!p0 $0x0  }
0x2f: {  	[sflag:s5] =	ssyncset.done $0x0;
	s13 =	sshll.u32 s12, $0xC  }
0x30: {  	[sflag:s5] =	ssyncadd.s32 $0xFFFFF000;
	s16 =	sor.u32 $0x10, s13  }
0x31: {  	s12 =	smul.u32 $0x4080, s12;
	v1 =	vld [tilespmem:s16+$0x0]  }
0x32: {  	s30 =	sand.u32 $0x1, s10;
	v0 =	vld [tilespmem:s16+$0xFFFFFFF0]  }
0x33: {  	s13 =	smul.u32 $0x4080, s30;
	s12 =	sshrl.u32 s12, $0x2  }
0x34: {  	s14 =	sor.u32 $0x2000, s12  }
0x35: {  	s31 =	sshrl.u32 s13, $0x2;
	s13 =	sadd.s32 $0x0, s14  }
0x36: {  	s15 =	simm.s32 $0x4;
	s16 =	sadd.s32 $0x20, s16;
	s12 =	sor.u32 $0x2000, s31;
	[tilespmem:s13+$0x810 ss:$0x81] =	vst.msk $0xffff, v1  }
.LBB1_3:
0x37: {  	v1 =	vld [tilespmem:s16+$0x0];
	p1 =	sne.s32 s15, $0x1FC;
	[tilespmem:s13+$0x0 ss:$0x81] =	vst.msk $0xffff, v0;
	s13 =	smov.u32 s15;
	s15 =	sadd.s32 $0x4, s15  }
.Ltmp3:
0x38: {  	v0 =	vld [tilespmem:s16+$0xFFFFFFF0];
	(pc) =	sbr.rel @p1 .LBB1_3-.Ltmp3, $4  }
0x39: {  	_ = 	snop  }
0x3a: {  	s13 =	sshra.s32 s13, $0x2  }
0x3b: {  	s13 =	sadd.s32 s13, s14  }
0x3c: {  	s16 =	sadd.s32 $0x20, s16;
	[tilespmem:s13+$0x810 ss:$0x81] =	vst.msk $0xffff, v1  }
.Ltmp4:
0x3d: {  	_ = 	snop;
	(pc) =	sbr.rel .LBB1_4-.Ltmp4, $1  }
0x3e: {  	_ =	sdelay $0x3  }
.LBB1_6:
0x3f: {  	_ =	sfence.sel $0x180000  }
0x40: {  	s2 =	simm.s32 $0x1;
	[bflag:$0x0] =	sbarrier.arrive $0xFFFF  }
0x41: {  	s31 =	simm.s32 $0x2;
	[sflag:s2] =	ssyncpa.u1 $0x1  }
0x42: {  	[sflag:s31] =	ssyncpa.u1 $0x1  }
0x43: {  	p0 =	sne.s32 s0, $0x0;
	_ =	strace $0x9000004A  }
0x44: {  	s0 =	sadd.s32 @!p0 $0x100000, s1;
	[bflag:$0x2] =	sbarrier.arrive $0xFFFF  }
0x45: {  	[sflag:s0] =	ssyncadd.tile.s32 @!p0 $0x1;
	_ =	shalt  }
.Lfunc_end1:
_tile_overlayer_lowered:
.L_overlay_start_2:
0x46: {  	(tag) =	ssettag $0x2  }
0x47: {  	s0 =	rddreg [dreg:$0x0];
	s2 =	stileid.u32  }
0x48: {  	s1 =	rddreg [dreg:$0x1];
	p0 =	sne.s32 s2, $0x0  }
0x49: {  	s3 =	rddreg [dreg:$0x2];
	[bflag:$0x3] =	sbarrier.arrive $0xFFFF;
	s2 =	simm.s32 @!p0 $0x1C01  }
0x4a: {  	[timem:s3], [sflag:s2] =	dma.local @!p0 [hbm:s0], s1  }
0x4b: {  	s0 =	simm.s32 @!p0 $0x1  }
0x4c: {  	_ =	swait.ge @!p0 [sflag:s0], s1  }
0x4d: {  	s1 =	ssub.s32 @!p0 $0x0, s1;
	[sflag:s0] =	ssyncset.done @!p0 $0x0  }
0x4e: {  	[sflag:s0] =	ssyncadd.s32 @!p0 s1  }
0x4f: {  	[bflag:$0x3] =	sbarrier.arrive $0xFFFF  }
0x50: {  	_ =	shalt  }

</sc_bundles>
